<compile_context>
chip_gen: v7x
topology: tpu7x:2x2x1
jax: 0.10.2.dev20260603
libtpu: 0.0.44.dev20260713+nightly
codegen_flags: <defaults>
</compile_context>

<pallas_src>
import functools

import jax
import jax.numpy as jnp
from jax import lax
from jax.experimental import pallas as pl
from jax.experimental.pallas import tpu as pltpu
from jax.experimental.pallas import tpu_sc as plsc


_SC_CHUNK = 128


@functools.lru_cache(maxsize=None)
def _make_sc_permute(n_rows: int, n_cols: int, scatter: bool):
    info = plsc.get_sparse_core_info()
    nw = info.num_cores * info.num_subcores
    assert n_rows % (nw * _SC_CHUNK) == 0
    rows_per_w = n_rows // nw
    n_chunks = rows_per_w // _SC_CHUNK
    mesh = plsc.VectorSubcoreMesh(core_axis_name="c", subcore_axis_name="s")

    @functools.partial(
        pl.kernel,
        mesh=mesh,
        out_type=jax.ShapeDtypeStruct((n_rows, n_cols), jnp.float32),
        scratch_types=[
            pltpu.VMEM((n_chunks, _SC_CHUNK), jnp.int32),
            pltpu.VMEM((_SC_CHUNK, n_cols), jnp.float32),
            pltpu.VMEM((_SC_CHUNK, n_cols), jnp.float32),
            pltpu.SemaphoreType.DMA,
            pltpu.SemaphoreType.DMA,
            pltpu.SemaphoreType.DMA,
            pltpu.SemaphoreType.DMA,
        ],
    )
    def permute_kernel(table_hbm, idx_hbm, out_hbm, idx_v, rb0, rb1,
                       is0, is1, os0, os1):
        wid = lax.axis_index("s") * info.num_cores + lax.axis_index("c")
        base = wid * rows_per_w
        pltpu.sync_copy(idx_hbm.at[wid], idx_v)
        rbufs = (rb0, rb1)
        isems = (is0, is1)
        osems = (os0, os1)

        def issue_in(j, rb, sem):
            if scatter:
                src = table_hbm.at[pl.ds(base + j * _SC_CHUNK, _SC_CHUNK)]
            else:
                src = table_hbm.at[idx_v.at[j]]
            return pltpu.async_copy(src, rb, sem)

        def issue_out(j, rb, sem):
            if scatter:
                dst = out_hbm.at[idx_v.at[j]]
            else:
                dst = out_hbm.at[pl.ds(base + j * _SC_CHUNK, _SC_CHUNK)]
            return pltpu.async_copy(rb, dst, sem)

        incop = [None, None]
        outcop = [None, None]
        for j in range(n_chunks + 1):
            s = j % 2
            if j < n_chunks:
                if outcop[s] is not None:
                    outcop[s].wait()
                incop[s] = issue_in(j, rbufs[s], isems[s])
            if j > 0:
                sp = (j - 1) % 2
                incop[sp].wait()
                outcop[sp] = issue_out(j - 1, rbufs[sp], osems[sp])
        outcop[0].wait()
        outcop[1].wait()

    def call(table, idx):
        idx3 = idx.reshape(nw, n_chunks, _SC_CHUNK)
        return permute_kernel(table, idx3)

    return call


def _sc_gather(table, idx):
    return _make_sc_permute(table.shape[0], table.shape[1], False)(table, idx)


def _sc_scatter(table, idx):
    return _make_sc_permute(table.shape[0], table.shape[1], True)(table, idx)



_ROWS = 2048


def _fused_body(xs_ref, st_ref, wqvg_ref, xp_ref, wo_ref, lng_ref, lnb_ref,
                ys_ref, carry_ref, uring_ref, nb):
    i = pl.program_id(0)

    @pl.when(i == 0)
    def _():
        carry_ref[...] = jnp.zeros_like(carry_ref)

    @pl.when(i < nb)
    def _():
        x = xs_ref[...]
        r, hdim = x.shape
        qvg = jnp.dot(x, wqvg_ref[...], preferred_element_type=jnp.float32)
        q = qvg[:, :hdim]
        v = qvg[:, hdim:2 * hdim]
        g = jax.nn.sigmoid(qvg[:, 2 * hdim:])

        a = g * (1.0 - st_ref[...])
        b = v
        rows = lax.broadcasted_iota(jnp.int32, (r, hdim), 0)
        d = 1
        while d < r:
            m = rows >= d
            a_sh = jnp.where(m, jnp.roll(a, d, axis=0), 1.0)
            b_sh = jnp.where(m, jnp.roll(b, d, axis=0), 0.0)
            b = a * b_sh + b
            a = a * a_sh
            d *= 2

        h = b + a * carry_ref[...]
        last = (rows == r - 1).astype(jnp.float32)
        carry_ref[...] = jnp.sum(h * last, axis=0, keepdims=True)
        uring_ref[lax.rem(i, 2)] = q * h

    @pl.when(i > 0)
    def _():
        u = uring_ref[lax.rem(i + 1, 2)]
        o = jnp.dot(u, wo_ref[...], preferred_element_type=jnp.float32)
        y = o + xp_ref[...]
        mu = jnp.mean(y, axis=1, keepdims=True)
        yc = y - mu
        var = jnp.mean(yc * yc, axis=1, keepdims=True)
        ys_ref[...] = yc / jnp.sqrt(var + 1e-5) * lng_ref[...] + lnb_ref[...]


def _tc_fused(xs, start_f, wqvg, wo_t, lng, lnb):
    n, hdim = xs.shape
    nb = n // _ROWS
    cur = lambda i: (jnp.minimum(i, nb - 1), 0)
    prev = lambda i: (jnp.maximum(i - 1, 0), 0)
    full = lambda i: (0, 0)
    return pl.pallas_call(
        functools.partial(_fused_body, nb=nb),
        grid=(nb + 1,),
        in_specs=[
            pl.BlockSpec((_ROWS, hdim), cur),
            pl.BlockSpec((_ROWS, 1), cur),
            pl.BlockSpec((hdim, 3 * hdim), full),
            pl.BlockSpec((_ROWS, hdim), prev),
            pl.BlockSpec((hdim, hdim), full),
            pl.BlockSpec((1, hdim), full),
            pl.BlockSpec((1, hdim), full),
        ],
        out_specs=pl.BlockSpec((_ROWS, hdim), prev),
        out_shape=jax.ShapeDtypeStruct((n, hdim), jnp.float32),
        scratch_shapes=[
            pltpu.VMEM((1, hdim), jnp.float32),
            pltpu.VMEM((2, _ROWS, hdim), jnp.float32),
        ],
    )(xs, start_f, wqvg, xs, wo_t, lng, lnb)



def kernel(events, time, w, h, batch_id, lengths, batch_size, Wq, Wv, Wg, Wo,
           ln_g, ln_b):
    n = events.shape[0]
    ev_batch_id = batch_id
    seg, _, sort_idx = lax.sort(
        (ev_batch_id, time, jnp.arange(n, dtype=jnp.int32)),
        num_keys=2, is_stable=True)
    start = jnp.concatenate(
        [jnp.ones((1,), dtype=bool), seg[1:] != seg[:-1]])
    start_f = start.astype(jnp.float32)[:, None]

    sort_idx = sort_idx.astype(jnp.int32)
    xs = _sc_gather(events, sort_idx)
    wqvg = jnp.concatenate([Wq.T, Wv.T, Wg.T], axis=1)
    ys = _tc_fused(xs, start_f, wqvg, Wo.T, ln_g[None, :], ln_b[None, :])
    return _sc_scatter(ys, sort_idx)

# --- scband reference (transcript-rebuilt; emitter-appended) ---
"""Pipeline reference for scband-linear-attention-83648783057407 (READ-ONLY COPY).

The authoritative reference and input builder live on the scoring server;
editing this copy changes nothing except your own understanding.
"""

import jax, jax.numpy as jnp
import numpy as np


def _layernorm(x, g, b, eps=1e-5):
    mu = jnp.mean(x, axis=-1, keepdims=True)
    var = jnp.var(x, axis=-1, keepdims=True)
    return (x - mu) / jnp.sqrt(var + eps) * g + b


def _segmented_gated_scan(u, g, start):
    # h_t = g_t * h_{t-1} + u_t, with h reset to 0 at segment starts
    a = jnp.where(start[:, None], 0.0, g)

    def comb(x, y):
        a1, b1 = x
        a2, b2 = y
        return (a1 * a2, a2 * b1 + b2)

    _, hh = jax.lax.associative_scan(comb, (a, u), axis=0)
    return hh


def setup_inputs(seed: int = 0) -> dict:
    key = jax.random.key(seed)
    N, H, B = 32768, 128, 16
    ks = [jax.random.fold_in(key, i) for i in range(12)]
    events = jax.random.normal(ks[0], (N, H), dtype=jnp.float32)
    time = jax.random.uniform(ks[1], (N,), dtype=jnp.float32)
    w = jax.random.randint(ks[2], (N,), 0, 64)
    h = jax.random.randint(ks[3], (N,), 0, 64)
    batch_id = jax.random.randint(ks[4], (N,), 0, B)
    lengths = jnp.ones((N,), dtype=jnp.int32)
    s = 1.0 / np.sqrt(H)
    Wq = jax.random.normal(ks[5], (H, H), dtype=jnp.float32) * s
    Wv = jax.random.normal(ks[6], (H, H), dtype=jnp.float32) * s
    Wg = jax.random.normal(ks[7], (H, H), dtype=jnp.float32) * s
    Wo = jax.random.normal(ks[8], (H, H), dtype=jnp.float32) * s
    ln_g = jnp.ones((H,), dtype=jnp.float32)
    ln_b = jnp.zeros((H,), dtype=jnp.float32)
    return {"events": events, "time": time, "w": w, "h": h, "batch_id": batch_id,
            "lengths": lengths, "batch_size": B, "Wq": Wq, "Wv": Wv, "Wg": Wg,
            "Wo": Wo, "ln_g": ln_g, "ln_b": ln_b}


def reference(events, time, w, h, batch_id, lengths, batch_size, Wq, Wv, Wg, Wo, ln_g, ln_b):
    N = events.shape[0]
    # input_size == hidden_size -> input_proj / residual_proj are None
    ev_batch_id = jnp.repeat(batch_id, lengths, total_repeat_length=N)
    time_sort_idx = jnp.argsort(time, stable=True)
    sort_idx = time_sort_idx[jnp.argsort(ev_batch_id[time_sort_idx], stable=True)]
    inv_sort_idx = jnp.zeros_like(sort_idx).at[sort_idx].set(jnp.arange(N, dtype=sort_idx.dtype))
    x = events[sort_idx]
    seg = ev_batch_id[sort_idx]
    # segment starts (equivalent to cu_seqlens over nonzero-length batches)
    start = jnp.concatenate([jnp.ones((1,), dtype=bool), seg[1:] != seg[:-1]])
    q = x @ Wq.T
    v = x @ Wv.T
    g = jax.nn.sigmoid(x @ Wg.T)
    hstate = _segmented_gated_scan(v, g, start)
    o = (q * hstate) @ Wo.T
    outputs = o[inv_sort_idx]
    outputs = outputs + events  # residual (no residual_proj)
    outputs = _layernorm(outputs, ln_g, ln_b)
    return outputs

if __name__ == "__main__":
    import jax
    _d = setup_inputs()
    print(jax.jit(kernel)(*tuple(_d.values())))

</pallas_src>

<mosaic_0001>
#map = affine_map<(d0, d1) -> (0, 0)>
#map1 = affine_map<(d0, d1) -> (0, 0, 0)>
module attributes {stable_mosaic.version = 14 : i64} {
  func.func @permute_kernel(%arg0: i32, %arg1: i32, %arg2: memref<32768x128xf32, #tpu.memory_space<hbm>>, %arg3: memref<32x8x128xi32, #tpu.memory_space<hbm>>, %arg4: memref<32768x128xf32, #tpu.memory_space<hbm>>, %arg5: memref<8x128xi32, #tpu.memory_space<vmem>>, %arg6: memref<128x128xf32, #tpu.memory_space<vmem>>, %arg7: memref<128x128xf32, #tpu.memory_space<vmem>>, %arg8: memref<!tpu.dma_semaphore, #tpu.memory_space<semaphore_mem>>, %arg9: memref<!tpu.dma_semaphore, #tpu.memory_space<semaphore_mem>>, %arg10: memref<!tpu.dma_semaphore, #tpu.memory_space<semaphore_mem>>, %arg11: memref<!tpu.dma_semaphore, #tpu.memory_space<semaphore_mem>>) attributes {dimension_semantics = [#tpu.dimension_semantics<core_parallel>, #tpu.dimension_semantics<subcore_parallel>], iteration_bounds = array<i64: 2, 16>, scalar_prefetch = 0 : i64, scratch_operands = 7 : i64, tpu.core_type = #tpu.core_type<sc_vector_subcore>, window_params = [{transform_indices = #map}, {transform_indices = #map1}, {transform_indices = #map}]} {
    %mul3A = arith.constant 2 : i32
    %mul3A_0 = arith.muli %arg1, %mul3A : i32
    %add3A = arith.addi %mul3A_0, %arg0 : i32
    %mul3A_1 = arith.constant 1024 : i32
    %mul3A_2 = arith.muli %add3A, %mul3A_1 : i32
    "tpu.region"() ({
      %run_scoped3A = tpu.sem_alloc : memref<!tpu.dma_semaphore, #tpu.memory_space<semaphore_mem>>
      %dma_start3A_193 = arith.constant 0 : i32
      %dma_start3A_194 = arith.constant 0 : i32
      %dma_start3A_195 = tpu.memref_slice %arg3[%add3A, %dma_start3A_193, %dma_start3A_194] : memref<32x8x128xi32, #tpu.memory_space<hbm>> -> memref<1x8x128xi32, #tpu.memory_space<hbm>>
      %dma_start3A_196 = tpu.memref_squeeze %dma_start3A_195 : memref<1x8x128xi32, #tpu.memory_space<hbm>> -> memref<8x128xi32, #tpu.memory_space<hbm>>
      %dma_start3A_197 = arith.constant 0 : i32
      %dma_start3A_198 = arith.constant 0 : i32
      %dma_start3A_199 = tpu.memref_slice %arg3[%add3A, %dma_start3A_197, %dma_start3A_198] : memref<32x8x128xi32, #tpu.memory_space<hbm>> -> memref<1x8x128xi32, #tpu.memory_space<hbm>>
      %dma_start3A_200 = tpu.memref_squeeze %dma_start3A_199 : memref<1x8x128xi32, #tpu.memory_space<hbm>> -> memref<8x128xi32, #tpu.memory_space<hbm>>
      tpu.enqueue_dma source(%dma_start3A_200 : memref<8x128xi32, #tpu.memory_space<hbm>>) target(%arg5 : memref<8x128xi32, #tpu.memory_space<vmem>>) target_semaphore(%run_scoped3A : memref<!tpu.dma_semaphore, #tpu.memory_space<semaphore_mem>>)
      %dma_wait3A_201 = arith.constant 0 : i32
      %dma_wait3A_202 = arith.constant 0 : i32
      %dma_wait3A_203 = tpu.memref_slice %arg3[%add3A, %dma_wait3A_201, %dma_wait3A_202] : memref<32x8x128xi32, #tpu.memory_space<hbm>> -> memref<1x8x128xi32, #tpu.memory_space<hbm>>
      %dma_wait3A_204 = tpu.memref_squeeze %dma_wait3A_203 : memref<1x8x128xi32, #tpu.memory_space<hbm>> -> memref<8x128xi32, #tpu.memory_space<hbm>>
      %dma_wait3A_205 = arith.constant 0 : i32
      %dma_wait3A_206 = arith.constant 0 : i32
      %dma_wait3A_207 = tpu.memref_slice %arg3[%add3A, %dma_wait3A_205, %dma_wait3A_206] : memref<32x8x128xi32, #tpu.memory_space<hbm>> -> memref<1x8x128xi32, #tpu.memory_space<hbm>>
      %dma_wait3A_208 = tpu.memref_squeeze %dma_wait3A_207 : memref<1x8x128xi32, #tpu.memory_space<hbm>> -> memref<8x128xi32, #tpu.memory_space<hbm>>
      tpu.wait_dma2 semaphore(%run_scoped3A : memref<!tpu.dma_semaphore, #tpu.memory_space<semaphore_mem>>) src(%dma_wait3A_208 : memref<8x128xi32, #tpu.memory_space<hbm>>) dst(%arg5 : memref<8x128xi32, #tpu.memory_space<vmem>>)
      tpu.yield
    }) : () -> ()
    %add3A_3 = arith.constant 0 : i32
    %add3A_4 = arith.addi %mul3A_2, %add3A_3 : i32
    %dma_start3A = arith.constant 0 : i32
    %dma_start3A_5 = tpu.memref_slice %arg2[%add3A_4, %dma_start3A] : memref<32768x128xf32, #tpu.memory_space<hbm>> -> memref<128x128xf32, #tpu.memory_space<hbm>>
    %dma_start3A_6 = arith.constant 0 : i32
    %dma_start3A_7 = tpu.memref_slice %arg2[%add3A_4, %dma_start3A_6] : memref<32768x128xf32, #tpu.memory_space<hbm>> -> memref<128x128xf32, #tpu.memory_space<hbm>>
    tpu.enqueue_dma source(%dma_start3A_7 : memref<128x128xf32, #tpu.memory_space<hbm>>) target(%arg6 : memref<128x128xf32, #tpu.memory_space<vmem>>) target_semaphore(%arg8 : memref<!tpu.dma_semaphore, #tpu.memory_space<semaphore_mem>>)
    %add3A_8 = arith.constant 128 : i32
    %add3A_9 = arith.addi %mul3A_2, %add3A_8 : i32
    %dma_start3A_10 = arith.constant 0 : i32
    %dma_start3A_11 = tpu.memref_slice %arg2[%add3A_9, %dma_start3A_10] : memref<32768x128xf32, #tpu.memory_space<hbm>> -> memref<128x128xf32, #tpu.memory_space<hbm>>
    %dma_start3A_12 = arith.constant 0 : i32
    %dma_start3A_13 = tpu.memref_slice %arg2[%add3A_9, %dma_start3A_12] : memref<32768x128xf32, #tpu.memory_space<hbm>> -> memref<128x128xf32, #tpu.memory_space<hbm>>
    tpu.enqueue_dma source(%dma_start3A_13 : memref<128x128xf32, #tpu.memory_space<hbm>>) target(%arg7 : memref<128x128xf32, #tpu.memory_space<vmem>>) target_semaphore(%arg9 : memref<!tpu.dma_semaphore, #tpu.memory_space<semaphore_mem>>)
    %dma_wait3A = arith.constant 0 : i32
    %dma_wait3A_14 = tpu.memref_slice %arg2[%add3A_4, %dma_wait3A] : memref<32768x128xf32, #tpu.memory_space<hbm>> -> memref<128x128xf32, #tpu.memory_space<hbm>>
    %dma_wait3A_15 = arith.constant 0 : i32
    %dma_wait3A_16 = tpu.memref_slice %arg2[%add3A_4, %dma_wait3A_15] : memref<32768x128xf32, #tpu.memory_space<hbm>> -> memref<128x128xf32, #tpu.memory_space<hbm>>
    tpu.wait_dma2 semaphore(%arg8 : memref<!tpu.dma_semaphore, #tpu.memory_space<semaphore_mem>>) src(%dma_wait3A_16 : memref<128x128xf32, #tpu.memory_space<hbm>>) dst(%arg6 : memref<128x128xf32, #tpu.memory_space<vmem>>)
    %dma_start3A_17 = arith.constant 0 : i32
    %dma_start3A_18 = arith.constant 0 : i32
    %dma_start3A_19 = tpu.memref_slice %arg5[%dma_start3A_17, %dma_start3A_18] : memref<8x128xi32, #tpu.memory_space<vmem>> -> memref<1x128xi32, #tpu.memory_space<vmem>>
    %dma_start3A_20 = tpu.memref_squeeze %dma_start3A_19 : memref<1x128xi32, #tpu.memory_space<vmem>> -> memref<128xi32, #tpu.memory_space<vmem>>
    %dma_start3A_21 = arith.constant 0 : i32
    %dma_start3A_22 = arith.constant 0 : i32
    %dma_start3A_23 = tpu.memref_slice %arg4[%dma_start3A_21, %dma_start3A_22] : memref<32768x128xf32, #tpu.memory_space<hbm>> -> memref<32768x128xf32, #tpu.memory_space<hbm>>
    tpu.enqueue_indirect_dma source(%arg6 : memref<128x128xf32, #tpu.memory_space<vmem>>) target(%dma_start3A_23 : memref<32768x128xf32, #tpu.memory_space<hbm>>) offsets(%dma_start3A_20 : memref<128xi32, #tpu.memory_space<vmem>>) semaphore(%arg10 : memref<!tpu.dma_semaphore, #tpu.memory_space<semaphore_mem>>)
    %dma_wait3A_24 = arith.constant 0 : i32
    %dma_wait3A_25 = arith.constant 0 : i32
    %dma_wait3A_26 = tpu.memref_slice %arg5[%dma_wait3A_24, %dma_wait3A_25] : memref<8x128xi32, #tpu.memory_space<vmem>> -> memref<1x128xi32, #tpu.memory_space<vmem>>
    %dma_wait3A_27 = tpu.memref_squeeze %dma_wait3A_26 : memref<1x128xi32, #tpu.memory_space<vmem>> -> memref<128xi32, #tpu.memory_space<vmem>>
    %dma_wait3A_28 = arith.constant 0 : i32
    %dma_wait3A_29 = arith.constant 0 : i32
    %dma_wait3A_30 = tpu.memref_slice %arg4[%dma_wait3A_28, %dma_wait3A_29] : memref<32768x128xf32, #tpu.memory_space<hbm>> -> memref<32768x128xf32, #tpu.memory_space<hbm>>
    tpu.wait_indirect_dma semaphore(%arg10 : memref<!tpu.dma_semaphore, #tpu.memory_space<semaphore_mem>>) src(%arg6 : memref<128x128xf32, #tpu.memory_space<vmem>>) dst(%dma_wait3A_30 : memref<32768x128xf32, #tpu.memory_space<hbm>>)
    %add3A_31 = arith.constant 256 : i32
    %add3A_32 = arith.addi %mul3A_2, %add3A_31 : i32
    %dma_start3A_33 = arith.constant 0 : i32
    %dma_start3A_34 = tpu.memref_slice %arg2[%add3A_32, %dma_start3A_33] : memref<32768x128xf32, #tpu.memory_space<hbm>> -> memref<128x128xf32, #tpu.memory_space<hbm>>
    %dma_start3A_35 = arith.constant 0 : i32
    %dma_start3A_36 = tpu.memref_slice %arg2[%add3A_32, %dma_start3A_35] : memref<32768x128xf32, #tpu.memory_space<hbm>> -> memref<128x128xf32, #tpu.memory_space<hbm>>
    tpu.enqueue_dma source(%dma_start3A_36 : memref<128x128xf32, #tpu.memory_space<hbm>>) target(%arg6 : memref<128x128xf32, #tpu.memory_space<vmem>>) target_semaphore(%arg8 : memref<!tpu.dma_semaphore, #tpu.memory_space<semaphore_mem>>)
    %dma_wait3A_37 = arith.constant 0 : i32
    %dma_wait3A_38 = tpu.memref_slice %arg2[%add3A_9, %dma_wait3A_37] : memref<32768x128xf32, #tpu.memory_space<hbm>> -> memref<128x128xf32, #tpu.memory_space<hbm>>
    %dma_wait3A_39 = arith.constant 0 : i32
    %dma_wait3A_40 = tpu.memref_slice %arg2[%add3A_9, %dma_wait3A_39] : memref<32768x128xf32, #tpu.memory_space<hbm>> -> memref<128x128xf32, #tpu.memory_space<hbm>>
    tpu.wait_dma2 semaphore(%arg9 : memref<!tpu.dma_semaphore, #tpu.memory_space<semaphore_mem>>) src(%dma_wait3A_40 : memref<128x128xf32, #tpu.memory_space<hbm>>) dst(%arg7 : memref<128x128xf32, #tpu.memory_space<vmem>>)
    %dma_start3A_41 = arith.constant 1 : i32
    %dma_start3A_42 = arith.constant 0 : i32
    %dma_start3A_43 = tpu.memref_slice %arg5[%dma_start3A_41, %dma_start3A_42] : memref<8x128xi32, #tpu.memory_space<vmem>> -> memref<1x128xi32, #tpu.memory_space<vmem>>
    %dma_start3A_44 = tpu.memref_squeeze %dma_start3A_43 : memref<1x128xi32, #tpu.memory_space<vmem>> -> memref<128xi32, #tpu.memory_space<vmem>>
    %dma_start3A_45 = arith.constant 0 : i32
    %dma_start3A_46 = arith.constant 0 : i32
    %dma_start3A_47 = tpu.memref_slice %arg4[%dma_start3A_45, %dma_start3A_46] : memref<32768x128xf32, #tpu.memory_space<hbm>> -> memref<32768x128xf32, #tpu.memory_space<hbm>>
    tpu.enqueue_indirect_dma source(%arg7 : memref<128x128xf32, #tpu.memory_space<vmem>>) target(%dma_start3A_47 : memref<32768x128xf32, #tpu.memory_space<hbm>>) offsets(%dma_start3A_44 : memref<128xi32, #tpu.memory_space<vmem>>) semaphore(%arg11 : memref<!tpu.dma_semaphore, #tpu.memory_space<semaphore_mem>>)
    %dma_wait3A_48 = arith.constant 1 : i32
    %dma_wait3A_49 = arith.constant 0 : i32
    %dma_wait3A_50 = tpu.memref_slice %arg5[%dma_wait3A_48, %dma_wait3A_49] : memref<8x128xi32, #tpu.memory_space<vmem>> -> memref<1x128xi32, #tpu.memory_space<vmem>>
    %dma_wait3A_51 = tpu.memref_squeeze %dma_wait3A_50 : memref<1x128xi32, #tpu.memory_space<vmem>> -> memref<128xi32, #tpu.memory_space<vmem>>
    %dma_wait3A_52 = arith.constant 0 : i32
    %dma_wait3A_53 = arith.constant 0 : i32
    %dma_wait3A_54 = tpu.memref_slice %arg4[%dma_wait3A_52, %dma_wait3A_53] : memref<32768x128xf32, #tpu.memory_space<hbm>> -> memref<32768x128xf32, #tpu.memory_space<hbm>>
    tpu.wait_indirect_dma semaphore(%arg11 : memref<!tpu.dma_semaphore, #tpu.memory_space<semaphore_mem>>) src(%arg7 : memref<128x128xf32, #tpu.memory_space<vmem>>) dst(%dma_wait3A_54 : memref<32768x128xf32, #tpu.memory_space<hbm>>)
    %add3A_55 = arith.constant 384 : i32
    %add3A_56 = arith.addi %mul3A_2, %add3A_55 : i32
    %dma_start3A_57 = arith.constant 0 : i32
    %dma_start3A_58 = tpu.memref_slice %arg2[%add3A_56, %dma_start3A_57] : memref<32768x128xf32, #tpu.memory_space<hbm>> -> memref<128x128xf32, #tpu.memory_space<hbm>>
    %dma_start3A_59 = arith.constant 0 : i32
    %dma_start3A_60 = tpu.memref_slice %arg2[%add3A_56, %dma_start3A_59] : memref<32768x128xf32, #tpu.memory_space<hbm>> -> memref<128x128xf32, #tpu.memory_space<hbm>>
    tpu.enqueue_dma source(%dma_start3A_60 : memref<128x128xf32, #tpu.memory_space<hbm>>) target(%arg7 : memref<128x128xf32, #tpu.memory_space<vmem>>) target_semaphore(%arg9 : memref<!tpu.dma_semaphore, #tpu.memory_space<semaphore_mem>>)
    %dma_wait3A_61 = arith.constant 0 : i32
    %dma_wait3A_62 = tpu.memref_slice %arg2[%add3A_32, %dma_wait3A_61] : memref<32768x128xf32, #tpu.memory_space<hbm>> -> memref<128x128xf32, #tpu.memory_space<hbm>>
    %dma_wait3A_63 = arith.constant 0 : i32
    %dma_wait3A_64 = tpu.memref_slice %arg2[%add3A_32, %dma_wait3A_63] : memref<32768x128xf32, #tpu.memory_space<hbm>> -> memref<128x128xf32, #tpu.memory_space<hbm>>
    tpu.wait_dma2 semaphore(%arg8 : memref<!tpu.dma_semaphore, #tpu.memory_space<semaphore_mem>>) src(%dma_wait3A_64 : memref<128x128xf32, #tpu.memory_space<hbm>>) dst(%arg6 : memref<128x128xf32, #tpu.memory_space<vmem>>)
    %dma_start3A_65 = arith.constant 2 : i32
    %dma_start3A_66 = arith.constant 0 : i32
    %dma_start3A_67 = tpu.memref_slice %arg5[%dma_start3A_65, %dma_start3A_66] : memref<8x128xi32, #tpu.memory_space<vmem>> -> memref<1x128xi32, #tpu.memory_space<vmem>>
    %dma_start3A_68 = tpu.memref_squeeze %dma_start3A_67 : memref<1x128xi32, #tpu.memory_space<vmem>> -> memref<128xi32, #tpu.memory_space<vmem>>
    %dma_start3A_69 = arith.constant 0 : i32
    %dma_start3A_70 = arith.constant 0 : i32
    %dma_start3A_71 = tpu.memref_slice %arg4[%dma_start3A_69, %dma_start3A_70] : memref<32768x128xf32, #tpu.memory_space<hbm>> -> memref<32768x128xf32, #tpu.memory_space<hbm>>
    tpu.enqueue_indirect_dma source(%arg6 : memref<128x128xf32, #tpu.memory_space<vmem>>) target(%dma_start3A_71 : memref<32768x128xf32, #tpu.memory_space<hbm>>) offsets(%dma_start3A_68 : memref<128xi32, #tpu.memory_space<vmem>>) semaphore(%arg10 : memref<!tpu.dma_semaphore, #tpu.memory_space<semaphore_mem>>)
    %dma_wait3A_72 = arith.constant 2 : i32
    %dma_wait3A_73 = arith.constant 0 : i32
    %dma_wait3A_74 = tpu.memref_slice %arg5[%dma_wait3A_72, %dma_wait3A_73] : memref<8x128xi32, #tpu.memory_space<vmem>> -> memref<1x128xi32, #tpu.memory_space<vmem>>
    %dma_wait3A_75 = tpu.memref_squeeze %dma_wait3A_74 : memref<1x128xi32, #tpu.memory_space<vmem>> -> memref<128xi32, #tpu.memory_space<vmem>>
    %dma_wait3A_76 = arith.constant 0 : i32
    %dma_wait3A_77 = arith.constant 0 : i32
    %dma_wait3A_78 = tpu.memref_slice %arg4[%dma_wait3A_76, %dma_wait3A_77] : memref<32768x128xf32, #tpu.memory_space<hbm>> -> memref<32768x128xf32, #tpu.memory_space<hbm>>
    tpu.wait_indirect_dma semaphore(%arg10 : memref<!tpu.dma_semaphore, #tpu.memory_space<semaphore_mem>>) src(%arg6 : memref<128x128xf32, #tpu.memory_space<vmem>>) dst(%dma_wait3A_78 : memref<32768x128xf32, #tpu.memory_space<hbm>>)
    %add3A_79 = arith.constant 512 : i32
    %add3A_80 = arith.addi %mul3A_2, %add3A_79 : i32
    %dma_start3A_81 = arith.constant 0 : i32
    %dma_start3A_82 = tpu.memref_slice %arg2[%add3A_80, %dma_start3A_81] : memref<32768x128xf32, #tpu.memory_space<hbm>> -> memref<128x128xf32, #tpu.memory_space<hbm>>
    %dma_start3A_83 = arith.constant 0 : i32
    %dma_start3A_84 = tpu.memref_slice %arg2[%add3A_80, %dma_start3A_83] : memref<32768x128xf32, #tpu.memory_space<hbm>> -> memref<128x128xf32, #tpu.memory_space<hbm>>
    tpu.enqueue_dma source(%dma_start3A_84 : memref<128x128xf32, #tpu.memory_space<hbm>>) target(%arg6 : memref<128x128xf32, #tpu.memory_space<vmem>>) target_semaphore(%arg8 : memref<!tpu.dma_semaphore, #tpu.memory_space<semaphore_mem>>)
    %dma_wait3A_85 = arith.constant 0 : i32
    %dma_wait3A_86 = tpu.memref_slice %arg2[%add3A_56, %dma_wait3A_85] : memref<32768x128xf32, #tpu.memory_space<hbm>> -> memref<128x128xf32, #tpu.memory_space<hbm>>
    %dma_wait3A_87 = arith.constant 0 : i32
    %dma_wait3A_88 = tpu.memref_slice %arg2[%add3A_56, %dma_wait3A_87] : memref<32768x128xf32, #tpu.memory_space<hbm>> -> memref<128x128xf32, #tpu.memory_space<hbm>>
    tpu.wait_dma2 semaphore(%arg9 : memref<!tpu.dma_semaphore, #tpu.memory_space<semaphore_mem>>) src(%dma_wait3A_88 : memref<128x128xf32, #tpu.memory_space<hbm>>) dst(%arg7 : memref<128x128xf32, #tpu.memory_space<vmem>>)
    %dma_start3A_89 = arith.constant 3 : i32
    %dma_start3A_90 = arith.constant 0 : i32
    %dma_start3A_91 = tpu.memref_slice %arg5[%dma_start3A_89, %dma_start3A_90] : memref<8x128xi32, #tpu.memory_space<vmem>> -> memref<1x128xi32, #tpu.memory_space<vmem>>
    %dma_start3A_92 = tpu.memref_squeeze %dma_start3A_91 : memref<1x128xi32, #tpu.memory_space<vmem>> -> memref<128xi32, #tpu.memory_space<vmem>>
    %dma_start3A_93 = arith.constant 0 : i32
    %dma_start3A_94 = arith.constant 0 : i32
    %dma_start3A_95 = tpu.memref_slice %arg4[%dma_start3A_93, %dma_start3A_94] : memref<32768x128xf32, #tpu.memory_space<hbm>> -> memref<32768x128xf32, #tpu.memory_space<hbm>>
    tpu.enqueue_indirect_dma source(%arg7 : memref<128x128xf32, #tpu.memory_space<vmem>>) target(%dma_start3A_95 : memref<32768x128xf32, #tpu.memory_space<hbm>>) offsets(%dma_start3A_92 : memref<128xi32, #tpu.memory_space<vmem>>) semaphore(%arg11 : memref<!tpu.dma_semaphore, #tpu.memory_space<semaphore_mem>>)
    %dma_wait3A_96 = arith.constant 3 : i32
    %dma_wait3A_97 = arith.constant 0 : i32
    %dma_wait3A_98 = tpu.memref_slice %arg5[%dma_wait3A_96, %dma_wait3A_97] : memref<8x128xi32, #tpu.memory_space<vmem>> -> memref<1x128xi32, #tpu.memory_space<vmem>>
    %dma_wait3A_99 = tpu.memref_squeeze %dma_wait3A_98 : memref<1x128xi32, #tpu.memory_space<vmem>> -> memref<128xi32, #tpu.memory_space<vmem>>
    %dma_wait3A_100 = arith.constant 0 : i32
    %dma_wait3A_101 = arith.constant 0 : i32
    %dma_wait3A_102 = tpu.memref_slice %arg4[%dma_wait3A_100, %dma_wait3A_101] : memref<32768x128xf32, #tpu.memory_space<hbm>> -> memref<32768x128xf32, #tpu.memory_space<hbm>>
    tpu.wait_indirect_dma semaphore(%arg11 : memref<!tpu.dma_semaphore, #tpu.memory_space<semaphore_mem>>) src(%arg7 : memref<128x128xf32, #tpu.memory_space<vmem>>) dst(%dma_wait3A_102 : memref<32768x128xf32, #tpu.memory_space<hbm>>)
    %add3A_103 = arith.constant 640 : i32
    %add3A_104 = arith.addi %mul3A_2, %add3A_103 : i32
    %dma_start3A_105 = arith.constant 0 : i32
    %dma_start3A_106 = tpu.memref_slice %arg2[%add3A_104, %dma_start3A_105] : memref<32768x128xf32, #tpu.memory_space<hbm>> -> memref<128x128xf32, #tpu.memory_space<hbm>>
    %dma_start3A_107 = arith.constant 0 : i32
    %dma_start3A_108 = tpu.memref_slice %arg2[%add3A_104, %dma_start3A_107] : memref<32768x128xf32, #tpu.memory_space<hbm>> -> memref<128x128xf32, #tpu.memory_space<hbm>>
    tpu.enqueue_dma source(%dma_start3A_108 : memref<128x128xf32, #tpu.memory_space<hbm>>) target(%arg7 : memref<128x128xf32, #tpu.memory_space<vmem>>) target_semaphore(%arg9 : memref<!tpu.dma_semaphore, #tpu.memory_space<semaphore_mem>>)
    %dma_wait3A_109 = arith.constant 0 : i32
    %dma_wait3A_110 = tpu.memref_slice %arg2[%add3A_80, %dma_wait3A_109] : memref<32768x128xf32, #tpu.memory_space<hbm>> -> memref<128x128xf32, #tpu.memory_space<hbm>>
    %dma_wait3A_111 = arith.constant 0 : i32
    %dma_wait3A_112 = tpu.memref_slice %arg2[%add3A_80, %dma_wait3A_111] : memref<32768x128xf32, #tpu.memory_space<hbm>> -> memref<128x128xf32, #tpu.memory_space<hbm>>
    tpu.wait_dma2 semaphore(%arg8 : memref<!tpu.dma_semaphore, #tpu.memory_space<semaphore_mem>>) src(%dma_wait3A_112 : memref<128x128xf32, #tpu.memory_space<hbm>>) dst(%arg6 : memref<128x128xf32, #tpu.memory_space<vmem>>)
    %dma_start3A_113 = arith.constant 4 : i32
    %dma_start3A_114 = arith.constant 0 : i32
    %dma_start3A_115 = tpu.memref_slice %arg5[%dma_start3A_113, %dma_start3A_114] : memref<8x128xi32, #tpu.memory_space<vmem>> -> memref<1x128xi32, #tpu.memory_space<vmem>>
    %dma_start3A_116 = tpu.memref_squeeze %dma_start3A_115 : memref<1x128xi32, #tpu.memory_space<vmem>> -> memref<128xi32, #tpu.memory_space<vmem>>
    %dma_start3A_117 = arith.constant 0 : i32
    %dma_start3A_118 = arith.constant 0 : i32
    %dma_start3A_119 = tpu.memref_slice %arg4[%dma_start3A_117, %dma_start3A_118] : memref<32768x128xf32, #tpu.memory_space<hbm>> -> memref<32768x128xf32, #tpu.memory_space<hbm>>
    tpu.enqueue_indirect_dma source(%arg6 : memref<128x128xf32, #tpu.memory_space<vmem>>) target(%dma_start3A_119 : memref<32768x128xf32, #tpu.memory_space<hbm>>) offsets(%dma_start3A_116 : memref<128xi32, #tpu.memory_space<vmem>>) semaphore(%arg10 : memref<!tpu.dma_semaphore, #tpu.memory_space<semaphore_mem>>)
    %dma_wait3A_120 = arith.constant 4 : i32
    %dma_wait3A_121 = arith.constant 0 : i32
    %dma_wait3A_122 = tpu.memref_slice %arg5[%dma_wait3A_120, %dma_wait3A_121] : memref<8x128xi32, #tpu.memory_space<vmem>> -> memref<1x128xi32, #tpu.memory_space<vmem>>
    %dma_wait3A_123 = tpu.memref_squeeze %dma_wait3A_122 : memref<1x128xi32, #tpu.memory_space<vmem>> -> memref<128xi32, #tpu.memory_space<vmem>>
    %dma_wait3A_124 = arith.constant 0 : i32
    %dma_wait3A_125 = arith.constant 0 : i32
    %dma_wait3A_126 = tpu.memref_slice %arg4[%dma_wait3A_124, %dma_wait3A_125] : memref<32768x128xf32, #tpu.memory_space<hbm>> -> memref<32768x128xf32, #tpu.memory_space<hbm>>
    tpu.wait_indirect_dma semaphore(%arg10 : memref<!tpu.dma_semaphore, #tpu.memory_space<semaphore_mem>>) src(%arg6 : memref<128x128xf32, #tpu.memory_space<vmem>>) dst(%dma_wait3A_126 : memref<32768x128xf32, #tpu.memory_space<hbm>>)
    %add3A_127 = arith.constant 768 : i32
    %add3A_128 = arith.addi %mul3A_2, %add3A_127 : i32
    %dma_start3A_129 = arith.constant 0 : i32
    %dma_start3A_130 = tpu.memref_slice %arg2[%add3A_128, %dma_start3A_129] : memref<32768x128xf32, #tpu.memory_space<hbm>> -> memref<128x128xf32, #tpu.memory_space<hbm>>
    %dma_start3A_131 = arith.constant 0 : i32
    %dma_start3A_132 = tpu.memref_slice %arg2[%add3A_128, %dma_start3A_131] : memref<32768x128xf32, #tpu.memory_space<hbm>> -> memref<128x128xf32, #tpu.memory_space<hbm>>
    tpu.enqueue_dma source(%dma_start3A_132 : memref<128x128xf32, #tpu.memory_space<hbm>>) target(%arg6 : memref<128x128xf32, #tpu.memory_space<vmem>>) target_semaphore(%arg8 : memref<!tpu.dma_semaphore, #tpu.memory_space<semaphore_mem>>)
    %dma_wait3A_133 = arith.constant 0 : i32
    %dma_wait3A_134 = tpu.memref_slice %arg2[%add3A_104, %dma_wait3A_133] : memref<32768x128xf32, #tpu.memory_space<hbm>> -> memref<128x128xf32, #tpu.memory_space<hbm>>
    %dma_wait3A_135 = arith.constant 0 : i32
    %dma_wait3A_136 = tpu.memref_slice %arg2[%add3A_104, %dma_wait3A_135] : memref<32768x128xf32, #tpu.memory_space<hbm>> -> memref<128x128xf32, #tpu.memory_space<hbm>>
    tpu.wait_dma2 semaphore(%arg9 : memref<!tpu.dma_semaphore, #tpu.memory_space<semaphore_mem>>) src(%dma_wait3A_136 : memref<128x128xf32, #tpu.memory_space<hbm>>) dst(%arg7 : memref<128x128xf32, #tpu.memory_space<vmem>>)
    %dma_start3A_137 = arith.constant 5 : i32
    %dma_start3A_138 = arith.constant 0 : i32
    %dma_start3A_139 = tpu.memref_slice %arg5[%dma_start3A_137, %dma_start3A_138] : memref<8x128xi32, #tpu.memory_space<vmem>> -> memref<1x128xi32, #tpu.memory_space<vmem>>
    %dma_start3A_140 = tpu.memref_squeeze %dma_start3A_139 : memref<1x128xi32, #tpu.memory_space<vmem>> -> memref<128xi32, #tpu.memory_space<vmem>>
    %dma_start3A_141 = arith.constant 0 : i32
    %dma_start3A_142 = arith.constant 0 : i32
    %dma_start3A_143 = tpu.memref_slice %arg4[%dma_start3A_141, %dma_start3A_142] : memref<32768x128xf32, #tpu.memory_space<hbm>> -> memref<32768x128xf32, #tpu.memory_space<hbm>>
    tpu.enqueue_indirect_dma source(%arg7 : memref<128x128xf32, #tpu.memory_space<vmem>>) target(%dma_start3A_143 : memref<32768x128xf32, #tpu.memory_space<hbm>>) offsets(%dma_start3A_140 : memref<128xi32, #tpu.memory_space<vmem>>) semaphore(%arg11 : memref<!tpu.dma_semaphore, #tpu.memory_space<semaphore_mem>>)
    %dma_wait3A_144 = arith.constant 5 : i32
    %dma_wait3A_145 = arith.constant 0 : i32
    %dma_wait3A_146 = tpu.memref_slice %arg5[%dma_wait3A_144, %dma_wait3A_145] : memref<8x128xi32, #tpu.memory_space<vmem>> -> memref<1x128xi32, #tpu.memory_space<vmem>>
    %dma_wait3A_147 = tpu.memref_squeeze %dma_wait3A_146 : memref<1x128xi32, #tpu.memory_space<vmem>> -> memref<128xi32, #tpu.memory_space<vmem>>
    %dma_wait3A_148 = arith.constant 0 : i32
    %dma_wait3A_149 = arith.constant 0 : i32
    %dma_wait3A_150 = tpu.memref_slice %arg4[%dma_wait3A_148, %dma_wait3A_149] : memref<32768x128xf32, #tpu.memory_space<hbm>> -> memref<32768x128xf32, #tpu.memory_space<hbm>>
    tpu.wait_indirect_dma semaphore(%arg11 : memref<!tpu.dma_semaphore, #tpu.memory_space<semaphore_mem>>) src(%arg7 : memref<128x128xf32, #tpu.memory_space<vmem>>) dst(%dma_wait3A_150 : memref<32768x128xf32, #tpu.memory_space<hbm>>)
    %add3A_151 = arith.constant 896 : i32
    %add3A_152 = arith.addi %mul3A_2, %add3A_151 : i32
    %dma_start3A_153 = arith.constant 0 : i32
    %dma_start3A_154 = tpu.memref_slice %arg2[%add3A_152, %dma_start3A_153] : memref<32768x128xf32, #tpu.memory_space<hbm>> -> memref<128x128xf32, #tpu.memory_space<hbm>>
    %dma_start3A_155 = arith.constant 0 : i32
    %dma_start3A_156 = tpu.memref_slice %arg2[%add3A_152, %dma_start3A_155] : memref<32768x128xf32, #tpu.memory_space<hbm>> -> memref<128x128xf32, #tpu.memory_space<hbm>>
    tpu.enqueue_dma source(%dma_start3A_156 : memref<128x128xf32, #tpu.memory_space<hbm>>) target(%arg7 : memref<128x128xf32, #tpu.memory_space<vmem>>) target_semaphore(%arg9 : memref<!tpu.dma_semaphore, #tpu.memory_space<semaphore_mem>>)
    %dma_wait3A_157 = arith.constant 0 : i32
    %dma_wait3A_158 = tpu.memref_slice %arg2[%add3A_128, %dma_wait3A_157] : memref<32768x128xf32, #tpu.memory_space<hbm>> -> memref<128x128xf32, #tpu.memory_space<hbm>>
    %dma_wait3A_159 = arith.constant 0 : i32
    %dma_wait3A_160 = tpu.memref_slice %arg2[%add3A_128, %dma_wait3A_159] : memref<32768x128xf32, #tpu.memory_space<hbm>> -> memref<128x128xf32, #tpu.memory_space<hbm>>
    tpu.wait_dma2 semaphore(%arg8 : memref<!tpu.dma_semaphore, #tpu.memory_space<semaphore_mem>>) src(%dma_wait3A_160 : memref<128x128xf32, #tpu.memory_space<hbm>>) dst(%arg6 : memref<128x128xf32, #tpu.memory_space<vmem>>)
    %dma_start3A_161 = arith.constant 6 : i32
    %dma_start3A_162 = arith.constant 0 : i32
    %dma_start3A_163 = tpu.memref_slice %arg5[%dma_start3A_161, %dma_start3A_162] : memref<8x128xi32, #tpu.memory_space<vmem>> -> memref<1x128xi32, #tpu.memory_space<vmem>>
    %dma_start3A_164 = tpu.memref_squeeze %dma_start3A_163 : memref<1x128xi32, #tpu.memory_space<vmem>> -> memref<128xi32, #tpu.memory_space<vmem>>
    %dma_start3A_165 = arith.constant 0 : i32
    %dma_start3A_166 = arith.constant 0 : i32
    %dma_start3A_167 = tpu.memref_slice %arg4[%dma_start3A_165, %dma_start3A_166] : memref<32768x128xf32, #tpu.memory_space<hbm>> -> memref<32768x128xf32, #tpu.memory_space<hbm>>
    tpu.enqueue_indirect_dma source(%arg6 : memref<128x128xf32, #tpu.memory_space<vmem>>) target(%dma_start3A_167 : memref<32768x128xf32, #tpu.memory_space<hbm>>) offsets(%dma_start3A_164 : memref<128xi32, #tpu.memory_space<vmem>>) semaphore(%arg10 : memref<!tpu.dma_semaphore, #tpu.memory_space<semaphore_mem>>)
    %dma_wait3A_168 = arith.constant 0 : i32
    %dma_wait3A_169 = tpu.memref_slice %arg2[%add3A_152, %dma_wait3A_168] : memref<32768x128xf32, #tpu.memory_space<hbm>> -> memref<128x128xf32, #tpu.memory_space<hbm>>
    %dma_wait3A_170 = arith.constant 0 : i32
    %dma_wait3A_171 = tpu.memref_slice %arg2[%add3A_152, %dma_wait3A_170] : memref<32768x128xf32, #tpu.memory_space<hbm>> -> memref<128x128xf32, #tpu.memory_space<hbm>>
    tpu.wait_dma2 semaphore(%arg9 : memref<!tpu.dma_semaphore, #tpu.memory_space<semaphore_mem>>) src(%dma_wait3A_171 : memref<128x128xf32, #tpu.memory_space<hbm>>) dst(%arg7 : memref<128x128xf32, #tpu.memory_space<vmem>>)
    %dma_start3A_172 = arith.constant 7 : i32
    %dma_start3A_173 = arith.constant 0 : i32
    %dma_start3A_174 = tpu.memref_slice %arg5[%dma_start3A_172, %dma_start3A_173] : memref<8x128xi32, #tpu.memory_space<vmem>> -> memref<1x128xi32, #tpu.memory_space<vmem>>
    %dma_start3A_175 = tpu.memref_squeeze %dma_start3A_174 : memref<1x128xi32, #tpu.memory_space<vmem>> -> memref<128xi32, #tpu.memory_space<vmem>>
    %dma_start3A_176 = arith.constant 0 : i32
    %dma_start3A_177 = arith.constant 0 : i32
    %dma_start3A_178 = tpu.memref_slice %arg4[%dma_start3A_176, %dma_start3A_177] : memref<32768x128xf32, #tpu.memory_space<hbm>> -> memref<32768x128xf32, #tpu.memory_space<hbm>>
    tpu.enqueue_indirect_dma source(%arg7 : memref<128x128xf32, #tpu.memory_space<vmem>>) target(%dma_start3A_178 : memref<32768x128xf32, #tpu.memory_space<hbm>>) offsets(%dma_start3A_175 : memref<128xi32, #tpu.memory_space<vmem>>) semaphore(%arg11 : memref<!tpu.dma_semaphore, #tpu.memory_space<semaphore_mem>>)
    %dma_wait3A_179 = arith.constant 6 : i32
    %dma_wait3A_180 = arith.constant 0 : i32
    %dma_wait3A_181 = tpu.memref_slice %arg5[%dma_wait3A_179, %dma_wait3A_180] : memref<8x128xi32, #tpu.memory_space<vmem>> -> memref<1x128xi32, #tpu.memory_space<vmem>>
    %dma_wait3A_182 = tpu.memref_squeeze %dma_wait3A_181 : memref<1x128xi32, #tpu.memory_space<vmem>> -> memref<128xi32, #tpu.memory_space<vmem>>
    %dma_wait3A_183 = arith.constant 0 : i32
    %dma_wait3A_184 = arith.constant 0 : i32
    %dma_wait3A_185 = tpu.memref_slice %arg4[%dma_wait3A_183, %dma_wait3A_184] : memref<32768x128xf32, #tpu.memory_space<hbm>> -> memref<32768x128xf32, #tpu.memory_space<hbm>>
    tpu.wait_indirect_dma semaphore(%arg10 : memref<!tpu.dma_semaphore, #tpu.memory_space<semaphore_mem>>) src(%arg6 : memref<128x128xf32, #tpu.memory_space<vmem>>) dst(%dma_wait3A_185 : memref<32768x128xf32, #tpu.memory_space<hbm>>)
    %dma_wait3A_186 = arith.constant 7 : i32
    %dma_wait3A_187 = arith.constant 0 : i32
    %dma_wait3A_188 = tpu.memref_slice %arg5[%dma_wait3A_186, %dma_wait3A_187] : memref<8x128xi32, #tpu.memory_space<vmem>> -> memref<1x128xi32, #tpu.memory_space<vmem>>
    %dma_wait3A_189 = tpu.memref_squeeze %dma_wait3A_188 : memref<1x128xi32, #tpu.memory_space<vmem>> -> memref<128xi32, #tpu.memory_space<vmem>>
    %dma_wait3A_190 = arith.constant 0 : i32
    %dma_wait3A_191 = arith.constant 0 : i32
    %dma_wait3A_192 = tpu.memref_slice %arg4[%dma_wait3A_190, %dma_wait3A_191] : memref<32768x128xf32, #tpu.memory_space<hbm>> -> memref<32768x128xf32, #tpu.memory_space<hbm>>
    tpu.wait_indirect_dma semaphore(%arg11 : memref<!tpu.dma_semaphore, #tpu.memory_space<semaphore_mem>>) src(%arg7 : memref<128x128xf32, #tpu.memory_space<vmem>>) dst(%dma_wait3A_192 : memref<32768x128xf32, #tpu.memory_space<hbm>>)
    return
  }
}

#map = affine_map<(d0, d1) -> (0, 0)>
#map1 = affine_map<(d0, d1) -> (0, 0, 0)>
module attributes {stable_mosaic.version = 14 : i64} {
  func.func @permute_kernel(%arg0: i32, %arg1: i32, %arg2: memref<32768x128xf32, #tpu.memory_space<hbm>>, %arg3: memref<32x8x128xi32, #tpu.memory_space<hbm>>, %arg4: memref<32768x128xf32, #tpu.memory_space<hbm>>, %arg5: memref<8x128xi32, #tpu.memory_space<vmem>>, %arg6: memref<128x128xf32, #tpu.memory_space<vmem>>, %arg7: memref<128x128xf32, #tpu.memory_space<vmem>>, %arg8: memref<!tpu.dma_semaphore, #tpu.memory_space<semaphore_mem>>, %arg9: memref<!tpu.dma_semaphore, #tpu.memory_space<semaphore_mem>>, %arg10: memref<!tpu.dma_semaphore, #tpu.memory_space<semaphore_mem>>, %arg11: memref<!tpu.dma_semaphore, #tpu.memory_space<semaphore_mem>>) attributes {dimension_semantics = [#tpu.dimension_semantics<core_parallel>, #tpu.dimension_semantics<subcore_parallel>], iteration_bounds = array<i64: 2, 16>, scalar_prefetch = 0 : i64, scratch_operands = 7 : i64, tpu.core_type = #tpu.core_type<sc_vector_subcore>, window_params = [{transform_indices = #map}, {transform_indices = #map1}, {transform_indices = #map}]} {
    %mul3A = arith.constant 2 : i32
    %mul3A_0 = arith.muli %arg1, %mul3A : i32
    %add3A = arith.addi %mul3A_0, %arg0 : i32
    %mul3A_1 = arith.constant 1024 : i32
    %mul3A_2 = arith.muli %add3A, %mul3A_1 : i32
    "tpu.region"() ({
      %run_scoped3A = tpu.sem_alloc : memref<!tpu.dma_semaphore, #tpu.memory_space<semaphore_mem>>
      %dma_start3A_193 = arith.constant 0 : i32
      %dma_start3A_194 = arith.constant 0 : i32
      %dma_start3A_195 = tpu.memref_slice %arg3[%add3A, %dma_start3A_193, %dma_start3A_194] : memref<32x8x128xi32, #tpu.memory_space<hbm>> -> memref<1x8x128xi32, #tpu.memory_space<hbm>>
      %dma_start3A_196 = tpu.memref_squeeze %dma_start3A_195 : memref<1x8x128xi32, #tpu.memory_space<hbm>> -> memref<8x128xi32, #tpu.memory_space<hbm>>
      %dma_start3A_197 = arith.constant 0 : i32
      %dma_start3A_198 = arith.constant 0 : i32
      %dma_start3A_199 = tpu.memref_slice %arg3[%add3A, %dma_start3A_197, %dma_start3A_198] : memref<32x8x128xi32, #tpu.memory_space<hbm>> -> memref<1x8x128xi32, #tpu.memory_space<hbm>>
      %dma_start3A_200 = tpu.memref_squeeze %dma_start3A_199 : memref<1x8x128xi32, #tpu.memory_space<hbm>> -> memref<8x128xi32, #tpu.memory_space<hbm>>
      tpu.enqueue_dma source(%dma_start3A_200 : memref<8x128xi32, #tpu.memory_space<hbm>>) target(%arg5 : memref<8x128xi32, #tpu.memory_space<vmem>>) target_semaphore(%run_scoped3A : memref<!tpu.dma_semaphore, #tpu.memory_space<semaphore_mem>>)
      %dma_wait3A_201 = arith.constant 0 : i32
      %dma_wait3A_202 = arith.constant 0 : i32
      %dma_wait3A_203 = tpu.memref_slice %arg3[%add3A, %dma_wait3A_201, %dma_wait3A_202] : memref<32x8x128xi32, #tpu.memory_space<hbm>> -> memref<1x8x128xi32, #tpu.memory_space<hbm>>
      %dma_wait3A_204 = tpu.memref_squeeze %dma_wait3A_203 : memref<1x8x128xi32, #tpu.memory_space<hbm>> -> memref<8x128xi32, #tpu.memory_space<hbm>>
      %dma_wait3A_205 = arith.constant 0 : i32
      %dma_wait3A_206 = arith.constant 0 : i32
      %dma_wait3A_207 = tpu.memref_slice %arg3[%add3A, %dma_wait3A_205, %dma_wait3A_206] : memref<32x8x128xi32, #tpu.memory_space<hbm>> -> memref<1x8x128xi32, #tpu.memory_space<hbm>>
      %dma_wait3A_208 = tpu.memref_squeeze %dma_wait3A_207 : memref<1x8x128xi32, #tpu.memory_space<hbm>> -> memref<8x128xi32, #tpu.memory_space<hbm>>
      tpu.wait_dma2 semaphore(%run_scoped3A : memref<!tpu.dma_semaphore, #tpu.memory_space<semaphore_mem>>) src(%dma_wait3A_208 : memref<8x128xi32, #tpu.memory_space<hbm>>) dst(%arg5 : memref<8x128xi32, #tpu.memory_space<vmem>>)
      tpu.yield
    }) : () -> ()
    %dma_start3A = arith.constant 0 : i32
    %dma_start3A_3 = arith.constant 0 : i32
    %dma_start3A_4 = tpu.memref_slice %arg5[%dma_start3A, %dma_start3A_3] : memref<8x128xi32, #tpu.memory_space<vmem>> -> memref<1x128xi32, #tpu.memory_space<vmem>>
    %dma_start3A_5 = tpu.memref_squeeze %dma_start3A_4 : memref<1x128xi32, #tpu.memory_space<vmem>> -> memref<128xi32, #tpu.memory_space<vmem>>
    %dma_start3A_6 = arith.constant 0 : i32
    %dma_start3A_7 = arith.constant 0 : i32
    %dma_start3A_8 = tpu.memref_slice %arg2[%dma_start3A_6, %dma_start3A_7] : memref<32768x128xf32, #tpu.memory_space<hbm>> -> memref<32768x128xf32, #tpu.memory_space<hbm>>
    tpu.enqueue_indirect_dma source(%dma_start3A_8 : memref<32768x128xf32, #tpu.memory_space<hbm>>) target(%arg6 : memref<128x128xf32, #tpu.memory_space<vmem>>) offsets(%dma_start3A_5 : memref<128xi32, #tpu.memory_space<vmem>>) semaphore(%arg8 : memref<!tpu.dma_semaphore, #tpu.memory_space<semaphore_mem>>)
    %dma_start3A_9 = arith.constant 1 : i32
    %dma_start3A_10 = arith.constant 0 : i32
    %dma_start3A_11 = tpu.memref_slice %arg5[%dma_start3A_9, %dma_start3A_10] : memref<8x128xi32, #tpu.memory_space<vmem>> -> memref<1x128xi32, #tpu.memory_space<vmem>>
    %dma_start3A_12 = tpu.memref_squeeze %dma_start3A_11 : memref<1x128xi32, #tpu.memory_space<vmem>> -> memref<128xi32, #tpu.memory_space<vmem>>
    %dma_start3A_13 = arith.constant 0 : i32
    %dma_start3A_14 = arith.constant 0 : i32
    %dma_start3A_15 = tpu.memref_slice %arg2[%dma_start3A_13, %dma_start3A_14] : memref<32768x128xf32, #tpu.memory_space<hbm>> -> memref<32768x128xf32, #tpu.memory_space<hbm>>
    tpu.enqueue_indirect_dma source(%dma_start3A_15 : memref<32768x128xf32, #tpu.memory_space<hbm>>) target(%arg7 : memref<128x128xf32, #tpu.memory_space<vmem>>) offsets(%dma_start3A_12 : memref<128xi32, #tpu.memory_space<vmem>>) semaphore(%arg9 : memref<!tpu.dma_semaphore, #tpu.memory_space<semaphore_mem>>)
    %dma_wait3A = arith.constant 0 : i32
    %dma_wait3A_16 = arith.constant 0 : i32
    %dma_wait3A_17 = tpu.memref_slice %arg5[%dma_wait3A, %dma_wait3A_16] : memref<8x128xi32, #tpu.memory_space<vmem>> -> memref<1x128xi32, #tpu.memory_space<vmem>>
    %dma_wait3A_18 = tpu.memref_squeeze %dma_wait3A_17 : memref<1x128xi32, #tpu.memory_space<vmem>> -> memref<128xi32, #tpu.memory_space<vmem>>
    %dma_wait3A_19 = arith.constant 0 : i32
    %dma_wait3A_20 = arith.constant 0 : i32
    %dma_wait3A_21 = tpu.memref_slice %arg2[%dma_wait3A_19, %dma_wait3A_20] : memref<32768x128xf32, #tpu.memory_space<hbm>> -> memref<32768x128xf32, #tpu.memory_space<hbm>>
    tpu.wait_indirect_dma semaphore(%arg8 : memref<!tpu.dma_semaphore, #tpu.memory_space<semaphore_mem>>) src(%dma_wait3A_21 : memref<32768x128xf32, #tpu.memory_space<hbm>>) dst(%arg6 : memref<128x128xf32, #tpu.memory_space<vmem>>)
    %add3A_22 = arith.constant 0 : i32
    %add3A_23 = arith.addi %mul3A_2, %add3A_22 : i32
    %dma_start3A_24 = arith.constant 0 : i32
    %dma_start3A_25 = tpu.memref_slice %arg4[%add3A_23, %dma_start3A_24] : memref<32768x128xf32, #tpu.memory_space<hbm>> -> memref<128x128xf32, #tpu.memory_space<hbm>>
    %dma_start3A_26 = arith.constant 0 : i32
    %dma_start3A_27 = tpu.memref_slice %arg4[%add3A_23, %dma_start3A_26] : memref<32768x128xf32, #tpu.memory_space<hbm>> -> memref<128x128xf32, #tpu.memory_space<hbm>>
    tpu.enqueue_dma source(%arg6 : memref<128x128xf32, #tpu.memory_space<vmem>>) target(%dma_start3A_27 : memref<128x128xf32, #tpu.memory_space<hbm>>) target_semaphore(%arg10 : memref<!tpu.dma_semaphore, #tpu.memory_space<semaphore_mem>>)
    %dma_wait3A_28 = arith.constant 0 : i32
    %dma_wait3A_29 = tpu.memref_slice %arg4[%add3A_23, %dma_wait3A_28] : memref<32768x128xf32, #tpu.memory_space<hbm>> -> memref<128x128xf32, #tpu.memory_space<hbm>>
    %dma_wait3A_30 = arith.constant 0 : i32
    %dma_wait3A_31 = tpu.memref_slice %arg4[%add3A_23, %dma_wait3A_30] : memref<32768x128xf32, #tpu.memory_space<hbm>> -> memref<128x128xf32, #tpu.memory_space<hbm>>
    tpu.wait_dma2 semaphore(%arg10 : memref<!tpu.dma_semaphore, #tpu.memory_space<semaphore_mem>>) src(%arg6 : memref<128x128xf32, #tpu.memory_space<vmem>>) dst(%dma_wait3A_31 : memref<128x128xf32, #tpu.memory_space<hbm>>)
    %dma_start3A_32 = arith.constant 2 : i32
    %dma_start3A_33 = arith.constant 0 : i32
    %dma_start3A_34 = tpu.memref_slice %arg5[%dma_start3A_32, %dma_start3A_33] : memref<8x128xi32, #tpu.memory_space<vmem>> -> memref<1x128xi32, #tpu.memory_space<vmem>>
    %dma_start3A_35 = tpu.memref_squeeze %dma_start3A_34 : memref<1x128xi32, #tpu.memory_space<vmem>> -> memref<128xi32, #tpu.memory_space<vmem>>
    %dma_start3A_36 = arith.constant 0 : i32
    %dma_start3A_37 = arith.constant 0 : i32
    %dma_start3A_38 = tpu.memref_slice %arg2[%dma_start3A_36, %dma_start3A_37] : memref<32768x128xf32, #tpu.memory_space<hbm>> -> memref<32768x128xf32, #tpu.memory_space<hbm>>
    tpu.enqueue_indirect_dma source(%dma_start3A_38 : memref<32768x128xf32, #tpu.memory_space<hbm>>) target(%arg6 : memref<128x128xf32, #tpu.memory_space<vmem>>) offsets(%dma_start3A_35 : memref<128xi32, #tpu.memory_space<vmem>>) semaphore(%arg8 : memref<!tpu.dma_semaphore, #tpu.memory_space<semaphore_mem>>)
    %dma_wait3A_39 = arith.constant 1 : i32
    %dma_wait3A_40 = arith.constant 0 : i32
    %dma_wait3A_41 = tpu.memref_slice %arg5[%dma_wait3A_39, %dma_wait3A_40] : memref<8x128xi32, #tpu.memory_space<vmem>> -> memref<1x128xi32, #tpu.memory_space<vmem>>
    %dma_wait3A_42 = tpu.memref_squeeze %dma_wait3A_41 : memref<1x128xi32, #tpu.memory_space<vmem>> -> memref<128xi32, #tpu.memory_space<vmem>>
    %dma_wait3A_43 = arith.constant 0 : i32
    %dma_wait3A_44 = arith.constant 0 : i32
    %dma_wait3A_45 = tpu.memref_slice %arg2[%dma_wait3A_43, %dma_wait3A_44] : memref<32768x128xf32, #tpu.memory_space<hbm>> -> memref<32768x128xf32, #tpu.memory_space<hbm>>
    tpu.wait_indirect_dma semaphore(%arg9 : memref<!tpu.dma_semaphore, #tpu.memory_space<semaphore_mem>>) src(%dma_wait3A_45 : memref<32768x128xf32, #tpu.memory_space<hbm>>) dst(%arg7 : memref<128x128xf32, #tpu.memory_space<vmem>>)
    %add3A_46 = arith.constant 128 : i32
    %add3A_47 = arith.addi %mul3A_2, %add3A_46 : i32
    %dma_start3A_48 = arith.constant 0 : i32
    %dma_start3A_49 = tpu.memref_slice %arg4[%add3A_47, %dma_start3A_48] : memref<32768x128xf32, #tpu.memory_space<hbm>> -> memref<128x128xf32, #tpu.memory_space<hbm>>
    %dma_start3A_50 = arith.constant 0 : i32
    %dma_start3A_51 = tpu.memref_slice %arg4[%add3A_47, %dma_start3A_50] : memref<32768x128xf32, #tpu.memory_space<hbm>> -> memref<128x128xf32, #tpu.memory_space<hbm>>
    tpu.enqueue_dma source(%arg7 : memref<128x128xf32, #tpu.memory_space<vmem>>) target(%dma_start3A_51 : memref<128x128xf32, #tpu.memory_space<hbm>>) target_semaphore(%arg11 : memref<!tpu.dma_semaphore, #tpu.memory_space<semaphore_mem>>)
    %dma_wait3A_52 = arith.constant 0 : i32
    %dma_wait3A_53 = tpu.memref_slice %arg4[%add3A_47, %dma_wait3A_52] : memref<32768x128xf32, #tpu.memory_space<hbm>> -> memref<128x128xf32, #tpu.memory_space<hbm>>
    %dma_wait3A_54 = arith.constant 0 : i32
    %dma_wait3A_55 = tpu.memref_slice %arg4[%add3A_47, %dma_wait3A_54] : memref<32768x128xf32, #tpu.memory_space<hbm>> -> memref<128x128xf32, #tpu.memory_space<hbm>>
    tpu.wait_dma2 semaphore(%arg11 : memref<!tpu.dma_semaphore, #tpu.memory_space<semaphore_mem>>) src(%arg7 : memref<128x128xf32, #tpu.memory_space<vmem>>) dst(%dma_wait3A_55 : memref<128x128xf32, #tpu.memory_space<hbm>>)
    %dma_start3A_56 = arith.constant 3 : i32
    %dma_start3A_57 = arith.constant 0 : i32
    %dma_start3A_58 = tpu.memref_slice %arg5[%dma_start3A_56, %dma_start3A_57] : memref<8x128xi32, #tpu.memory_space<vmem>> -> memref<1x128xi32, #tpu.memory_space<vmem>>
    %dma_start3A_59 = tpu.memref_squeeze %dma_start3A_58 : memref<1x128xi32, #tpu.memory_space<vmem>> -> memref<128xi32, #tpu.memory_space<vmem>>
    %dma_start3A_60 = arith.constant 0 : i32
    %dma_start3A_61 = arith.constant 0 : i32
    %dma_start3A_62 = tpu.memref_slice %arg2[%dma_start3A_60, %dma_start3A_61] : memref<32768x128xf32, #tpu.memory_space<hbm>> -> memref<32768x128xf32, #tpu.memory_space<hbm>>
    tpu.enqueue_indirect_dma source(%dma_start3A_62 : memref<32768x128xf32, #tpu.memory_space<hbm>>) target(%arg7 : memref<128x128xf32, #tpu.memory_space<vmem>>) offsets(%dma_start3A_59 : memref<128xi32, #tpu.memory_space<vmem>>) semaphore(%arg9 : memref<!tpu.dma_semaphore, #tpu.memory_space<semaphore_mem>>)
    %dma_wait3A_63 = arith.constant 2 : i32
    %dma_wait3A_64 = arith.constant 0 : i32
    %dma_wait3A_65 = tpu.memref_slice %arg5[%dma_wait3A_63, %dma_wait3A_64] : memref<8x128xi32, #tpu.memory_space<vmem>> -> memref<1x128xi32, #tpu.memory_space<vmem>>
    %dma_wait3A_66 = tpu.memref_squeeze %dma_wait3A_65 : memref<1x128xi32, #tpu.memory_space<vmem>> -> memref<128xi32, #tpu.memory_space<vmem>>
    %dma_wait3A_67 = arith.constant 0 : i32
    %dma_wait3A_68 = arith.constant 0 : i32
    %dma_wait3A_69 = tpu.memref_slice %arg2[%dma_wait3A_67, %dma_wait3A_68] : memref<32768x128xf32, #tpu.memory_space<hbm>> -> memref<32768x128xf32, #tpu.memory_space<hbm>>
    tpu.wait_indirect_dma semaphore(%arg8 : memref<!tpu.dma_semaphore, #tpu.memory_space<semaphore_mem>>) src(%dma_wait3A_69 : memref<32768x128xf32, #tpu.memory_space<hbm>>) dst(%arg6 : memref<128x128xf32, #tpu.memory_space<vmem>>)
    %add3A_70 = arith.constant 256 : i32
    %add3A_71 = arith.addi %mul3A_2, %add3A_70 : i32
    %dma_start3A_72 = arith.constant 0 : i32
    %dma_start3A_73 = tpu.memref_slice %arg4[%add3A_71, %dma_start3A_72] : memref<32768x128xf32, #tpu.memory_space<hbm>> -> memref<128x128xf32, #tpu.memory_space<hbm>>
    %dma_start3A_74 = arith.constant 0 : i32
    %dma_start3A_75 = tpu.memref_slice %arg4[%add3A_71, %dma_start3A_74] : memref<32768x128xf32, #tpu.memory_space<hbm>> -> memref<128x128xf32, #tpu.memory_space<hbm>>
    tpu.enqueue_dma source(%arg6 : memref<128x128xf32, #tpu.memory_space<vmem>>) target(%dma_start3A_75 : memref<128x128xf32, #tpu.memory_space<hbm>>) target_semaphore(%arg10 : memref<!tpu.dma_semaphore, #tpu.memory_space<semaphore_mem>>)
    %dma_wait3A_76 = arith.constant 0 : i32
    %dma_wait3A_77 = tpu.memref_slice %arg4[%add3A_71, %dma_wait3A_76] : memref<32768x128xf32, #tpu.memory_space<hbm>> -> memref<128x128xf32, #tpu.memory_space<hbm>>
    %dma_wait3A_78 = arith.constant 0 : i32
    %dma_wait3A_79 = tpu.memref_slice %arg4[%add3A_71, %dma_wait3A_78] : memref<32768x128xf32, #tpu.memory_space<hbm>> -> memref<128x128xf32, #tpu.memory_space<hbm>>
    tpu.wait_dma2 semaphore(%arg10 : memref<!tpu.dma_semaphore, #tpu.memory_space<semaphore_mem>>) src(%arg6 : memref<128x128xf32, #tpu.memory_space<vmem>>) dst(%dma_wait3A_79 : memref<128x128xf32, #tpu.memory_space<hbm>>)
    %dma_start3A_80 = arith.constant 4 : i32
    %dma_start3A_81 = arith.constant 0 : i32
    %dma_start3A_82 = tpu.memref_slice %arg5[%dma_start3A_80, %dma_start3A_81] : memref<8x128xi32, #tpu.memory_space<vmem>> -> memref<1x128xi32, #tpu.memory_space<vmem>>
    %dma_start3A_83 = tpu.memref_squeeze %dma_start3A_82 : memref<1x128xi32, #tpu.memory_space<vmem>> -> memref<128xi32, #tpu.memory_space<vmem>>
    %dma_start3A_84 = arith.constant 0 : i32
    %dma_start3A_85 = arith.constant 0 : i32
    %dma_start3A_86 = tpu.memref_slice %arg2[%dma_start3A_84, %dma_start3A_85] : memref<32768x128xf32, #tpu.memory_space<hbm>> -> memref<32768x128xf32, #tpu.memory_space<hbm>>
    tpu.enqueue_indirect_dma source(%dma_start3A_86 : memref<32768x128xf32, #tpu.memory_space<hbm>>) target(%arg6 : memref<128x128xf32, #tpu.memory_space<vmem>>) offsets(%dma_start3A_83 : memref<128xi32, #tpu.memory_space<vmem>>) semaphore(%arg8 : memref<!tpu.dma_semaphore, #tpu.memory_space<semaphore_mem>>)
    %dma_wait3A_87 = arith.constant 3 : i32
    %dma_wait3A_88 = arith.constant 0 : i32
    %dma_wait3A_89 = tpu.memref_slice %arg5[%dma_wait3A_87, %dma_wait3A_88] : memref<8x128xi32, #tpu.memory_space<vmem>> -> memref<1x128xi32, #tpu.memory_space<vmem>>
    %dma_wait3A_90 = tpu.memref_squeeze %dma_wait3A_89 : memref<1x128xi32, #tpu.memory_space<vmem>> -> memref<128xi32, #tpu.memory_space<vmem>>
    %dma_wait3A_91 = arith.constant 0 : i32
    %dma_wait3A_92 = arith.constant 0 : i32
    %dma_wait3A_93 = tpu.memref_slice %arg2[%dma_wait3A_91, %dma_wait3A_92] : memref<32768x128xf32, #tpu.memory_space<hbm>> -> memref<32768x128xf32, #tpu.memory_space<hbm>>
    tpu.wait_indirect_dma semaphore(%arg9 : memref<!tpu.dma_semaphore, #tpu.memory_space<semaphore_mem>>) src(%dma_wait3A_93 : memref<32768x128xf32, #tpu.memory_space<hbm>>) dst(%arg7 : memref<128x128xf32, #tpu.memory_space<vmem>>)
    %add3A_94 = arith.constant 384 : i32
    %add3A_95 = arith.addi %mul3A_2, %add3A_94 : i32
    %dma_start3A_96 = arith.constant 0 : i32
    %dma_start3A_97 = tpu.memref_slice %arg4[%add3A_95, %dma_start3A_96] : memref<32768x128xf32, #tpu.memory_space<hbm>> -> memref<128x128xf32, #tpu.memory_space<hbm>>
    %dma_start3A_98 = arith.constant 0 : i32
    %dma_start3A_99 = tpu.memref_slice %arg4[%add3A_95, %dma_start3A_98] : memref<32768x128xf32, #tpu.memory_space<hbm>> -> memref<128x128xf32, #tpu.memory_space<hbm>>
    tpu.enqueue_dma source(%arg7 : memref<128x128xf32, #tpu.memory_space<vmem>>) target(%dma_start3A_99 : memref<128x128xf32, #tpu.memory_space<hbm>>) target_semaphore(%arg11 : memref<!tpu.dma_semaphore, #tpu.memory_space<semaphore_mem>>)
    %dma_wait3A_100 = arith.constant 0 : i32
    %dma_wait3A_101 = tpu.memref_slice %arg4[%add3A_95, %dma_wait3A_100] : memref<32768x128xf32, #tpu.memory_space<hbm>> -> memref<128x128xf32, #tpu.memory_space<hbm>>
    %dma_wait3A_102 = arith.constant 0 : i32
    %dma_wait3A_103 = tpu.memref_slice %arg4[%add3A_95, %dma_wait3A_102] : memref<32768x128xf32, #tpu.memory_space<hbm>> -> memref<128x128xf32, #tpu.memory_space<hbm>>
    tpu.wait_dma2 semaphore(%arg11 : memref<!tpu.dma_semaphore, #tpu.memory_space<semaphore_mem>>) src(%arg7 : memref<128x128xf32, #tpu.memory_space<vmem>>) dst(%dma_wait3A_103 : memref<128x128xf32, #tpu.memory_space<hbm>>)
    %dma_start3A_104 = arith.constant 5 : i32
    %dma_start3A_105 = arith.constant 0 : i32
    %dma_start3A_106 = tpu.memref_slice %arg5[%dma_start3A_104, %dma_start3A_105] : memref<8x128xi32, #tpu.memory_space<vmem>> -> memref<1x128xi32, #tpu.memory_space<vmem>>
    %dma_start3A_107 = tpu.memref_squeeze %dma_start3A_106 : memref<1x128xi32, #tpu.memory_space<vmem>> -> memref<128xi32, #tpu.memory_space<vmem>>
    %dma_start3A_108 = arith.constant 0 : i32
    %dma_start3A_109 = arith.constant 0 : i32
    %dma_start3A_110 = tpu.memref_slice %arg2[%dma_start3A_108, %dma_start3A_109] : memref<32768x128xf32, #tpu.memory_space<hbm>> -> memref<32768x128xf32, #tpu.memory_space<hbm>>
    tpu.enqueue_indirect_dma source(%dma_start3A_110 : memref<32768x128xf32, #tpu.memory_space<hbm>>) target(%arg7 : memref<128x128xf32, #tpu.memory_space<vmem>>) offsets(%dma_start3A_107 : memref<128xi32, #tpu.memory_space<vmem>>) semaphore(%arg9 : memref<!tpu.dma_semaphore, #tpu.memory_space<semaphore_mem>>)
    %dma_wait3A_111 = arith.constant 4 : i32
    %dma_wait3A_112 = arith.constant 0 : i32
    %dma_wait3A_113 = tpu.memref_slice %arg5[%dma_wait3A_111, %dma_wait3A_112] : memref<8x128xi32, #tpu.memory_space<vmem>> -> memref<1x128xi32, #tpu.memory_space<vmem>>
    %dma_wait3A_114 = tpu.memref_squeeze %dma_wait3A_113 : memref<1x128xi32, #tpu.memory_space<vmem>> -> memref<128xi32, #tpu.memory_space<vmem>>
    %dma_wait3A_115 = arith.constant 0 : i32
    %dma_wait3A_116 = arith.constant 0 : i32
    %dma_wait3A_117 = tpu.memref_slice %arg2[%dma_wait3A_115, %dma_wait3A_116] : memref<32768x128xf32, #tpu.memory_space<hbm>> -> memref<32768x128xf32, #tpu.memory_space<hbm>>
    tpu.wait_indirect_dma semaphore(%arg8 : memref<!tpu.dma_semaphore, #tpu.memory_space<semaphore_mem>>) src(%dma_wait3A_117 : memref<32768x128xf32, #tpu.memory_space<hbm>>) dst(%arg6 : memref<128x128xf32, #tpu.memory_space<vmem>>)
    %add3A_118 = arith.constant 512 : i32
    %add3A_119 = arith.addi %mul3A_2, %add3A_118 : i32
    %dma_start3A_120 = arith.constant 0 : i32
    %dma_start3A_121 = tpu.memref_slice %arg4[%add3A_119, %dma_start3A_120] : memref<32768x128xf32, #tpu.memory_space<hbm>> -> memref<128x128xf32, #tpu.memory_space<hbm>>
    %dma_start3A_122 = arith.constant 0 : i32
    %dma_start3A_123 = tpu.memref_slice %arg4[%add3A_119, %dma_start3A_122] : memref<32768x128xf32, #tpu.memory_space<hbm>> -> memref<128x128xf32, #tpu.memory_space<hbm>>
    tpu.enqueue_dma source(%arg6 : memref<128x128xf32, #tpu.memory_space<vmem>>) target(%dma_start3A_123 : memref<128x128xf32, #tpu.memory_space<hbm>>) target_semaphore(%arg10 : memref<!tpu.dma_semaphore, #tpu.memory_space<semaphore_mem>>)
    %dma_wait3A_124 = arith.constant 0 : i32
    %dma_wait3A_125 = tpu.memref_slice %arg4[%add3A_119, %dma_wait3A_124] : memref<32768x128xf32, #tpu.memory_space<hbm>> -> memref<128x128xf32, #tpu.memory_space<hbm>>
    %dma_wait3A_126 = arith.constant 0 : i32
    %dma_wait3A_127 = tpu.memref_slice %arg4[%add3A_119, %dma_wait3A_126] : memref<32768x128xf32, #tpu.memory_space<hbm>> -> memref<128x128xf32, #tpu.memory_space<hbm>>
    tpu.wait_dma2 semaphore(%arg10 : memref<!tpu.dma_semaphore, #tpu.memory_space<semaphore_mem>>) src(%arg6 : memref<128x128xf32, #tpu.memory_space<vmem>>) dst(%dma_wait3A_127 : memref<128x128xf32, #tpu.memory_space<hbm>>)
    %dma_start3A_128 = arith.constant 6 : i32
    %dma_start3A_129 = arith.constant 0 : i32
    %dma_start3A_130 = tpu.memref_slice %arg5[%dma_start3A_128, %dma_start3A_129] : memref<8x128xi32, #tpu.memory_space<vmem>> -> memref<1x128xi32, #tpu.memory_space<vmem>>
    %dma_start3A_131 = tpu.memref_squeeze %dma_start3A_130 : memref<1x128xi32, #tpu.memory_space<vmem>> -> memref<128xi32, #tpu.memory_space<vmem>>
    %dma_start3A_132 = arith.constant 0 : i32
    %dma_start3A_133 = arith.constant 0 : i32
    %dma_start3A_134 = tpu.memref_slice %arg2[%dma_start3A_132, %dma_start3A_133] : memref<32768x128xf32, #tpu.memory_space<hbm>> -> memref<32768x128xf32, #tpu.memory_space<hbm>>
    tpu.enqueue_indirect_dma source(%dma_start3A_134 : memref<32768x128xf32, #tpu.memory_space<hbm>>) target(%arg6 : memref<128x128xf32, #tpu.memory_space<vmem>>) offsets(%dma_start3A_131 : memref<128xi32, #tpu.memory_space<vmem>>) semaphore(%arg8 : memref<!tpu.dma_semaphore, #tpu.memory_space<semaphore_mem>>)
    %dma_wait3A_135 = arith.constant 5 : i32
    %dma_wait3A_136 = arith.constant 0 : i32
    %dma_wait3A_137 = tpu.memref_slice %arg5[%dma_wait3A_135, %dma_wait3A_136] : memref<8x128xi32, #tpu.memory_space<vmem>> -> memref<1x128xi32, #tpu.memory_space<vmem>>
    %dma_wait3A_138 = tpu.memref_squeeze %dma_wait3A_137 : memref<1x128xi32, #tpu.memory_space<vmem>> -> memref<128xi32, #tpu.memory_space<vmem>>
    %dma_wait3A_139 = arith.constant 0 : i32
    %dma_wait3A_140 = arith.constant 0 : i32
    %dma_wait3A_141 = tpu.memref_slice %arg2[%dma_wait3A_139, %dma_wait3A_140] : memref<32768x128xf32, #tpu.memory_space<hbm>> -> memref<32768x128xf32, #tpu.memory_space<hbm>>
    tpu.wait_indirect_dma semaphore(%arg9 : memref<!tpu.dma_semaphore, #tpu.memory_space<semaphore_mem>>) src(%dma_wait3A_141 : memref<32768x128xf32, #tpu.memory_space<hbm>>) dst(%arg7 : memref<128x128xf32, #tpu.memory_space<vmem>>)
    %add3A_142 = arith.constant 640 : i32
    %add3A_143 = arith.addi %mul3A_2, %add3A_142 : i32
    %dma_start3A_144 = arith.constant 0 : i32
    %dma_start3A_145 = tpu.memref_slice %arg4[%add3A_143, %dma_start3A_144] : memref<32768x128xf32, #tpu.memory_space<hbm>> -> memref<128x128xf32, #tpu.memory_space<hbm>>
    %dma_start3A_146 = arith.constant 0 : i32
    %dma_start3A_147 = tpu.memref_slice %arg4[%add3A_143, %dma_start3A_146] : memref<32768x128xf32, #tpu.memory_space<hbm>> -> memref<128x128xf32, #tpu.memory_space<hbm>>
    tpu.enqueue_dma source(%arg7 : memref<128x128xf32, #tpu.memory_space<vmem>>) target(%dma_start3A_147 : memref<128x128xf32, #tpu.memory_space<hbm>>) target_semaphore(%arg11 : memref<!tpu.dma_semaphore, #tpu.memory_space<semaphore_mem>>)
    %dma_wait3A_148 = arith.constant 0 : i32
    %dma_wait3A_149 = tpu.memref_slice %arg4[%add3A_143, %dma_wait3A_148] : memref<32768x128xf32, #tpu.memory_space<hbm>> -> memref<128x128xf32, #tpu.memory_space<hbm>>
    %dma_wait3A_150 = arith.constant 0 : i32
    %dma_wait3A_151 = tpu.memref_slice %arg4[%add3A_143, %dma_wait3A_150] : memref<32768x128xf32, #tpu.memory_space<hbm>> -> memref<128x128xf32, #tpu.memory_space<hbm>>
    tpu.wait_dma2 semaphore(%arg11 : memref<!tpu.dma_semaphore, #tpu.memory_space<semaphore_mem>>) src(%arg7 : memref<128x128xf32, #tpu.memory_space<vmem>>) dst(%dma_wait3A_151 : memref<128x128xf32, #tpu.memory_space<hbm>>)
    %dma_start3A_152 = arith.constant 7 : i32
    %dma_start3A_153 = arith.constant 0 : i32
    %dma_start3A_154 = tpu.memref_slice %arg5[%dma_start3A_152, %dma_start3A_153] : memref<8x128xi32, #tpu.memory_space<vmem>> -> memref<1x128xi32, #tpu.memory_space<vmem>>
    %dma_start3A_155 = tpu.memref_squeeze %dma_start3A_154 : memref<1x128xi32, #tpu.memory_space<vmem>> -> memref<128xi32, #tpu.memory_space<vmem>>
    %dma_start3A_156 = arith.constant 0 : i32
    %dma_start3A_157 = arith.constant 0 : i32
    %dma_start3A_158 = tpu.memref_slice %arg2[%dma_start3A_156, %dma_start3A_157] : memref<32768x128xf32, #tpu.memory_space<hbm>> -> memref<32768x128xf32, #tpu.memory_space<hbm>>
    tpu.enqueue_indirect_dma source(%dma_start3A_158 : memref<32768x128xf32, #tpu.memory_space<hbm>>) target(%arg7 : memref<128x128xf32, #tpu.memory_space<vmem>>) offsets(%dma_start3A_155 : memref<128xi32, #tpu.memory_space<vmem>>) semaphore(%arg9 : memref<!tpu.dma_semaphore, #tpu.memory_space<semaphore_mem>>)
    %dma_wait3A_159 = arith.constant 6 : i32
    %dma_wait3A_160 = arith.constant 0 : i32
    %dma_wait3A_161 = tpu.memref_slice %arg5[%dma_wait3A_159, %dma_wait3A_160] : memref<8x128xi32, #tpu.memory_space<vmem>> -> memref<1x128xi32, #tpu.memory_space<vmem>>
    %dma_wait3A_162 = tpu.memref_squeeze %dma_wait3A_161 : memref<1x128xi32, #tpu.memory_space<vmem>> -> memref<128xi32, #tpu.memory_space<vmem>>
    %dma_wait3A_163 = arith.constant 0 : i32
    %dma_wait3A_164 = arith.constant 0 : i32
    %dma_wait3A_165 = tpu.memref_slice %arg2[%dma_wait3A_163, %dma_wait3A_164] : memref<32768x128xf32, #tpu.memory_space<hbm>> -> memref<32768x128xf32, #tpu.memory_space<hbm>>
    tpu.wait_indirect_dma semaphore(%arg8 : memref<!tpu.dma_semaphore, #tpu.memory_space<semaphore_mem>>) src(%dma_wait3A_165 : memref<32768x128xf32, #tpu.memory_space<hbm>>) dst(%arg6 : memref<128x128xf32, #tpu.memory_space<vmem>>)
    %add3A_166 = arith.constant 768 : i32
    %add3A_167 = arith.addi %mul3A_2, %add3A_166 : i32
    %dma_start3A_168 = arith.constant 0 : i32
    %dma_start3A_169 = tpu.memref_slice %arg4[%add3A_167, %dma_start3A_168] : memref<32768x128xf32, #tpu.memory_space<hbm>> -> memref<128x128xf32, #tpu.memory_space<hbm>>
    %dma_start3A_170 = arith.constant 0 : i32
    %dma_start3A_171 = tpu.memref_slice %arg4[%add3A_167, %dma_start3A_170] : memref<32768x128xf32, #tpu.memory_space<hbm>> -> memref<128x128xf32, #tpu.memory_space<hbm>>
    tpu.enqueue_dma source(%arg6 : memref<128x128xf32, #tpu.memory_space<vmem>>) target(%dma_start3A_171 : memref<128x128xf32, #tpu.memory_space<hbm>>) target_semaphore(%arg10 : memref<!tpu.dma_semaphore, #tpu.memory_space<semaphore_mem>>)
    %dma_wait3A_172 = arith.constant 7 : i32
    %dma_wait3A_173 = arith.constant 0 : i32
    %dma_wait3A_174 = tpu.memref_slice %arg5[%dma_wait3A_172, %dma_wait3A_173] : memref<8x128xi32, #tpu.memory_space<vmem>> -> memref<1x128xi32, #tpu.memory_space<vmem>>
    %dma_wait3A_175 = tpu.memref_squeeze %dma_wait3A_174 : memref<1x128xi32, #tpu.memory_space<vmem>> -> memref<128xi32, #tpu.memory_space<vmem>>
    %dma_wait3A_176 = arith.constant 0 : i32
    %dma_wait3A_177 = arith.constant 0 : i32
    %dma_wait3A_178 = tpu.memref_slice %arg2[%dma_wait3A_176, %dma_wait3A_177] : memref<32768x128xf32, #tpu.memory_space<hbm>> -> memref<32768x128xf32, #tpu.memory_space<hbm>>
    tpu.wait_indirect_dma semaphore(%arg9 : memref<!tpu.dma_semaphore, #tpu.memory_space<semaphore_mem>>) src(%dma_wait3A_178 : memref<32768x128xf32, #tpu.memory_space<hbm>>) dst(%arg7 : memref<128x128xf32, #tpu.memory_space<vmem>>)
    %add3A_179 = arith.constant 896 : i32
    %add3A_180 = arith.addi %mul3A_2, %add3A_179 : i32
    %dma_start3A_181 = arith.constant 0 : i32
    %dma_start3A_182 = tpu.memref_slice %arg4[%add3A_180, %dma_start3A_181] : memref<32768x128xf32, #tpu.memory_space<hbm>> -> memref<128x128xf32, #tpu.memory_space<hbm>>
    %dma_start3A_183 = arith.constant 0 : i32
    %dma_start3A_184 = tpu.memref_slice %arg4[%add3A_180, %dma_start3A_183] : memref<32768x128xf32, #tpu.memory_space<hbm>> -> memref<128x128xf32, #tpu.memory_space<hbm>>
    tpu.enqueue_dma source(%arg7 : memref<128x128xf32, #tpu.memory_space<vmem>>) target(%dma_start3A_184 : memref<128x128xf32, #tpu.memory_space<hbm>>) target_semaphore(%arg11 : memref<!tpu.dma_semaphore, #tpu.memory_space<semaphore_mem>>)
    %dma_wait3A_185 = arith.constant 0 : i32
    %dma_wait3A_186 = tpu.memref_slice %arg4[%add3A_167, %dma_wait3A_185] : memref<32768x128xf32, #tpu.memory_space<hbm>> -> memref<128x128xf32, #tpu.memory_space<hbm>>
    %dma_wait3A_187 = arith.constant 0 : i32
    %dma_wait3A_188 = tpu.memref_slice %arg4[%add3A_167, %dma_wait3A_187] : memref<32768x128xf32, #tpu.memory_space<hbm>> -> memref<128x128xf32, #tpu.memory_space<hbm>>
    tpu.wait_dma2 semaphore(%arg10 : memref<!tpu.dma_semaphore, #tpu.memory_space<semaphore_mem>>) src(%arg6 : memref<128x128xf32, #tpu.memory_space<vmem>>) dst(%dma_wait3A_188 : memref<128x128xf32, #tpu.memory_space<hbm>>)
    %dma_wait3A_189 = arith.constant 0 : i32
    %dma_wait3A_190 = tpu.memref_slice %arg4[%add3A_180, %dma_wait3A_189] : memref<32768x128xf32, #tpu.memory_space<hbm>> -> memref<128x128xf32, #tpu.memory_space<hbm>>
    %dma_wait3A_191 = arith.constant 0 : i32
    %dma_wait3A_192 = tpu.memref_slice %arg4[%add3A_180, %dma_wait3A_191] : memref<32768x128xf32, #tpu.memory_space<hbm>> -> memref<128x128xf32, #tpu.memory_space<hbm>>
    tpu.wait_dma2 semaphore(%arg11 : memref<!tpu.dma_semaphore, #tpu.memory_space<semaphore_mem>>) src(%arg7 : memref<128x128xf32, #tpu.memory_space<vmem>>) dst(%dma_wait3A_192 : memref<128x128xf32, #tpu.memory_space<hbm>>)
    return
  }
}

module attributes {stable_mosaic.version = 14 : i64} {
  func.func @_fused_body(%arg0: i32, %arg1: memref<2048x128xf32, #tpu.memory_space<vmem>>, %arg2: memref<2048x1xf32, #tpu.memory_space<vmem>>, %arg3: memref<128x384xf32, #tpu.memory_space<vmem>>, %arg4: memref<2048x128xf32, #tpu.memory_space<vmem>>, %arg5: memref<128x128xf32, #tpu.memory_space<vmem>>, %arg6: memref<1x128xf32, #tpu.memory_space<vmem>>, %arg7: memref<1x128xf32, #tpu.memory_space<vmem>>, %arg8: memref<2048x128xf32, #tpu.memory_space<vmem>>, %arg9: memref<1x128xf32, #tpu.memory_space<vmem>>, %arg10: memref<2x2048x128xf32, #tpu.memory_space<vmem>>) attributes {dimension_semantics = [#tpu.dimension_semantics<arbitrary>], iteration_bounds = array<i64: 17>, scalar_prefetch = 0 : i64, scratch_operands = 2 : i64, tpu.core_type = #tpu.core_type<tc>, window_params = [{transform_indices = @transform_0, window_bounds = array<i64: 2048, 128>}, {transform_indices = @transform_1, window_bounds = array<i64: 2048, 1>}, {pipeline_mode = #tpu.pipeline_mode<synchronous>, transform_indices = @transform_2, window_bounds = array<i64: 128, 384>}, {transform_indices = @transform_3, window_bounds = array<i64: 2048, 128>}, {pipeline_mode = #tpu.pipeline_mode<synchronous>, transform_indices = @transform_4, window_bounds = array<i64: 128, 128>}, {pipeline_mode = #tpu.pipeline_mode<synchronous>, transform_indices = @transform_5, window_bounds = array<i64: 1, 128>}, {pipeline_mode = #tpu.pipeline_mode<synchronous>, transform_indices = @transform_6, window_bounds = array<i64: 1, 128>}, {transform_indices = @transform_7, window_bounds = array<i64: 2048, 128>}]} {
    %eq3A = arith.constant 0 : i32
    %eq3A_0 = arith.cmpi eq, %arg0, %eq3A : i32
    %convert_element_type3A = arith.extui %eq3A_0 : i1 to i32
    %cond3A = arith.constant 0 : i32
    %cond3A_1 = arith.cmpi ne, %convert_element_type3A, %cond3A : i32
    scf.if %cond3A_1 {
      %broadcast_in_dim3A = arith.constant 0.000000e+00 : f32
      %broadcast_in_dim3A_10 = vector.broadcast %broadcast_in_dim3A : f32 to vector<1x128xf32>
      %swap3A = arith.constant 0 : index
      %swap3A_11 = arith.constant 0 : index
      %swap3A_12 = vector.load %arg9[%swap3A, %swap3A_11] : memref<1x128xf32, #tpu.memory_space<vmem>>, vector<1x128xf32>
      tpu.vector_store %arg9[%swap3A, %swap3A_11], %broadcast_in_dim3A_10 {strides = array<i32>} : memref<1x128xf32, #tpu.memory_space<vmem>>, vector<1x128xf32>,
    } else {
    }
    %lt3A = arith.constant 16 : i32
    %lt3A_2 = arith.cmpi slt, %arg0, %lt3A : i32
    %convert_element_type3A_3 = arith.extui %lt3A_2 : i1 to i32
    %cond3A_4 = arith.constant 0 : i32
    %cond3A_5 = arith.cmpi ne, %convert_element_type3A_3, %cond3A_4 : i32
    scf.if %cond3A_5 {
      %get3A = arith.constant 0 : index
      %get3A_10 = arith.constant 0 : index
      %get3A_11 = vector.load %arg1[%get3A, %get3A_10] : memref<2048x128xf32, #tpu.memory_space<vmem>>, vector<2048x128xf32>
      %get3A_12 = arith.constant 0 : index
      %get3A_13 = arith.constant 0 : index
      %get3A_14 = vector.load %arg3[%get3A_12, %get3A_13] : memref<128x384xf32, #tpu.memory_space<vmem>>, vector<128x384xf32>
      %dot_general3A = arith.constant dense<0.000000e+00> : vector<2048x384xf32>
      %dot_general3A_15 = tpu.matmul %get3A_11, %get3A_14, %dot_general3A {dimension_numbers = #tpu.dot_dimension_numbers<[1], [0], [0], [1], [0, 0, 1, 1], [], []>, transpose_lhs_hint = false} : vector<2048x128xf32>, vector<128x384xf32>, vector<2048x384xf32> -> vector<2048x384xf32>
      %slice3A = vector.extract_strided_slice %dot_general3A_15 {offsets = [0, 0], sizes = [2048, 128], strides = [1, 1]} : vector<2048x384xf32> to vector<2048x128xf32>
      %slice3A_16 = vector.extract_strided_slice %dot_general3A_15 {offsets = [0, 128], sizes = [2048, 128], strides = [1, 1]} : vector<2048x384xf32> to vector<2048x128xf32>
      %slice3A_17 = vector.extract_strided_slice %dot_general3A_15 {offsets = [0, 256], sizes = [2048, 128], strides = [1, 1]} : vector<2048x384xf32> to vector<2048x128xf32>
      %logistic3A = arith.negf %slice3A_17 : vector<2048x128xf32>
      %logistic3A_18 = math.exp %logistic3A : vector<2048x128xf32>
      %logistic3A_19 = arith.constant 1.000000e+00 : f32
      %logistic3A_20 = vector.broadcast %logistic3A_19 : f32 to vector<2048x128xf32>
      %logistic3A_21 = arith.addf %logistic3A_20, %logistic3A_18 : vector<2048x128xf32>
      %logistic3A_22 = arith.divf %logistic3A_20, %logistic3A_21 : vector<2048x128xf32>
      %get3A_23 = arith.constant 0 : index
      %get3A_24 = arith.constant 0 : index
      %get3A_25 = vector.load %arg2[%get3A_23, %get3A_24] : memref<2048x1xf32, #tpu.memory_space<vmem>>, vector<2048x1xf32>
      %sub3A = arith.constant 1.000000e+00 : f32
      %sub3A_26 = vector.broadcast %sub3A : f32 to vector<2048x1xf32>
      %sub3A_27 = arith.subf %sub3A_26, %get3A_25 : vector<2048x1xf32>
      %mul3A = vector.broadcast %sub3A_27 : vector<2048x1xf32> to vector<2048x128xf32>
      %mul3A_28 = arith.mulf %logistic3A_22, %mul3A : vector<2048x128xf32>
      %iota3A = tpu.iota {dimensions = array<i32: 0>} : vector<2048x128xi32>
      %ge3A = arith.constant 1 : i32
      %ge3A_29 = vector.broadcast %ge3A : i32 to vector<2048x128xi32>
      %ge3A_30 = arith.cmpi sge, %iota3A, %ge3A_29 : vector<2048x128xi32>
      %slice3A_31 = vector.extract_strided_slice %mul3A_28 {offsets = [2047, 0], sizes = [1, 128], strides = [1, 1]} : vector<2048x128xf32> to vector<1x128xf32>
      %slice3A_32 = vector.extract_strided_slice %mul3A_28 {offsets = [0, 0], sizes = [2047, 128], strides = [1, 1]} : vector<2048x128xf32> to vector<2047x128xf32>
      %concatenate3A = tpu.concatenate %slice3A_31, %slice3A_32 in 0 : vector<1x128xf32>, vector<2047x128xf32> -> vector<2048x128xf32>
      %jit3A = arith.constant 1.000000e+00 : f32
      %broadcast_in_dim3A = vector.broadcast %jit3A : f32 to vector<2048x128xf32>
      %select_n3A = arith.select %ge3A_30, %concatenate3A, %broadcast_in_dim3A : vector<2048x128xi1>, vector<2048x128xf32>
      %slice3A_33 = vector.extract_strided_slice %slice3A_16 {offsets = [2047, 0], sizes = [1, 128], strides = [1, 1]} : vector<2048x128xf32> to vector<1x128xf32>
      %slice3A_34 = vector.extract_strided_slice %slice3A_16 {offsets = [0, 0], sizes = [2047, 128], strides = [1, 1]} : vector<2048x128xf32> to vector<2047x128xf32>
      %concatenate3A_35 = tpu.concatenate %slice3A_33, %slice3A_34 in 0 : vector<1x128xf32>, vector<2047x128xf32> -> vector<2048x128xf32>
      %jit3A_36 = arith.constant 0.000000e+00 : f32
      %broadcast_in_dim3A_37 = vector.broadcast %jit3A_36 : f32 to vector<2048x128xf32>
      %select_n3A_38 = arith.select %ge3A_30, %concatenate3A_35, %broadcast_in_dim3A_37 : vector<2048x128xi1>, vector<2048x128xf32>
      %mul3A_39 = arith.mulf %mul3A_28, %select_n3A_38 : vector<2048x128xf32>
      %add3A = arith.addf %mul3A_39, %slice3A_16 : vector<2048x128xf32>
      %mul3A_40 = arith.mulf %mul3A_28, %select_n3A : vector<2048x128xf32>
      %ge3A_41 = arith.constant 2 : i32
      %ge3A_42 = vector.broadcast %ge3A_41 : i32 to vector<2048x128xi32>
      %ge3A_43 = arith.cmpi sge, %iota3A, %ge3A_42 : vector<2048x128xi32>
      %slice3A_44 = vector.extract_strided_slice %mul3A_40 {offsets = [2046, 0], sizes = [2, 128], strides = [1, 1]} : vector<2048x128xf32> to vector<2x128xf32>
      %slice3A_45 = vector.extract_strided_slice %mul3A_40 {offsets = [0, 0], sizes = [2046, 128], strides = [1, 1]} : vector<2048x128xf32> to vector<2046x128xf32>
      %concatenate3A_46 = tpu.concatenate %slice3A_44, %slice3A_45 in 0 : vector<2x128xf32>, vector<2046x128xf32> -> vector<2048x128xf32>
      %jit3A_47 = arith.constant 1.000000e+00 : f32
      %broadcast_in_dim3A_48 = vector.broadcast %jit3A_47 : f32 to vector<2048x128xf32>
      %select_n3A_49 = arith.select %ge3A_43, %concatenate3A_46, %broadcast_in_dim3A_48 : vector<2048x128xi1>, vector<2048x128xf32>
      %slice3A_50 = vector.extract_strided_slice %add3A {offsets = [2046, 0], sizes = [2, 128], strides = [1, 1]} : vector<2048x128xf32> to vector<2x128xf32>
      %slice3A_51 = vector.extract_strided_slice %add3A {offsets = [0, 0], sizes = [2046, 128], strides = [1, 1]} : vector<2048x128xf32> to vector<2046x128xf32>
      %concatenate3A_52 = tpu.concatenate %slice3A_50, %slice3A_51 in 0 : vector<2x128xf32>, vector<2046x128xf32> -> vector<2048x128xf32>
      %jit3A_53 = arith.constant 0.000000e+00 : f32
      %broadcast_in_dim3A_54 = vector.broadcast %jit3A_53 : f32 to vector<2048x128xf32>
      %select_n3A_55 = arith.select %ge3A_43, %concatenate3A_52, %broadcast_in_dim3A_54 : vector<2048x128xi1>, vector<2048x128xf32>
      %mul3A_56 = arith.mulf %mul3A_40, %select_n3A_55 : vector<2048x128xf32>
      %add3A_57 = arith.addf %mul3A_56, %add3A : vector<2048x128xf32>
      %mul3A_58 = arith.mulf %mul3A_40, %select_n3A_49 : vector<2048x128xf32>
      %ge3A_59 = arith.constant 4 : i32
      %ge3A_60 = vector.broadcast %ge3A_59 : i32 to vector<2048x128xi32>
      %ge3A_61 = arith.cmpi sge, %iota3A, %ge3A_60 : vector<2048x128xi32>
      %slice3A_62 = vector.extract_strided_slice %mul3A_58 {offsets = [2044, 0], sizes = [4, 128], strides = [1, 1]} : vector<2048x128xf32> to vector<4x128xf32>
      %slice3A_63 = vector.extract_strided_slice %mul3A_58 {offsets = [0, 0], sizes = [2044, 128], strides = [1, 1]} : vector<2048x128xf32> to vector<2044x128xf32>
      %concatenate3A_64 = tpu.concatenate %slice3A_62, %slice3A_63 in 0 : vector<4x128xf32>, vector<2044x128xf32> -> vector<2048x128xf32>
      %jit3A_65 = arith.constant 1.000000e+00 : f32
      %broadcast_in_dim3A_66 = vector.broadcast %jit3A_65 : f32 to vector<2048x128xf32>
      %select_n3A_67 = arith.select %ge3A_61, %concatenate3A_64, %broadcast_in_dim3A_66 : vector<2048x128xi1>, vector<2048x128xf32>
      %slice3A_68 = vector.extract_strided_slice %add3A_57 {offsets = [2044, 0], sizes = [4, 128], strides = [1, 1]} : vector<2048x128xf32> to vector<4x128xf32>
      %slice3A_69 = vector.extract_strided_slice %add3A_57 {offsets = [0, 0], sizes = [2044, 128], strides = [1, 1]} : vector<2048x128xf32> to vector<2044x128xf32>
      %concatenate3A_70 = tpu.concatenate %slice3A_68, %slice3A_69 in 0 : vector<4x128xf32>, vector<2044x128xf32> -> vector<2048x128xf32>
      %jit3A_71 = arith.constant 0.000000e+00 : f32
      %broadcast_in_dim3A_72 = vector.broadcast %jit3A_71 : f32 to vector<2048x128xf32>
      %select_n3A_73 = arith.select %ge3A_61, %concatenate3A_70, %broadcast_in_dim3A_72 : vector<2048x128xi1>, vector<2048x128xf32>
      %mul3A_74 = arith.mulf %mul3A_58, %select_n3A_73 : vector<2048x128xf32>
      %add3A_75 = arith.addf %mul3A_74, %add3A_57 : vector<2048x128xf32>
      %mul3A_76 = arith.mulf %mul3A_58, %select_n3A_67 : vector<2048x128xf32>
      %ge3A_77 = arith.constant 8 : i32
      %ge3A_78 = vector.broadcast %ge3A_77 : i32 to vector<2048x128xi32>
      %ge3A_79 = arith.cmpi sge, %iota3A, %ge3A_78 : vector<2048x128xi32>
      %slice3A_80 = vector.extract_strided_slice %mul3A_76 {offsets = [2040, 0], sizes = [8, 128], strides = [1, 1]} : vector<2048x128xf32> to vector<8x128xf32>
      %slice3A_81 = vector.extract_strided_slice %mul3A_76 {offsets = [0, 0], sizes = [2040, 128], strides = [1, 1]} : vector<2048x128xf32> to vector<2040x128xf32>
      %concatenate3A_82 = tpu.concatenate %slice3A_80, %slice3A_81 in 0 : vector<8x128xf32>, vector<2040x128xf32> -> vector<2048x128xf32>
      %jit3A_83 = arith.constant 1.000000e+00 : f32
      %broadcast_in_dim3A_84 = vector.broadcast %jit3A_83 : f32 to vector<2048x128xf32>
      %select_n3A_85 = arith.select %ge3A_79, %concatenate3A_82, %broadcast_in_dim3A_84 : vector<2048x128xi1>, vector<2048x128xf32>
      %slice3A_86 = vector.extract_strided_slice %add3A_75 {offsets = [2040, 0], sizes = [8, 128], strides = [1, 1]} : vector<2048x128xf32> to vector<8x128xf32>
      %slice3A_87 = vector.extract_strided_slice %add3A_75 {offsets = [0, 0], sizes = [2040, 128], strides = [1, 1]} : vector<2048x128xf32> to vector<2040x128xf32>
      %concatenate3A_88 = tpu.concatenate %slice3A_86, %slice3A_87 in 0 : vector<8x128xf32>, vector<2040x128xf32> -> vector<2048x128xf32>
      %jit3A_89 = arith.constant 0.000000e+00 : f32
      %broadcast_in_dim3A_90 = vector.broadcast %jit3A_89 : f32 to vector<2048x128xf32>
      %select_n3A_91 = arith.select %ge3A_79, %concatenate3A_88, %broadcast_in_dim3A_90 : vector<2048x128xi1>, vector<2048x128xf32>
      %mul3A_92 = arith.mulf %mul3A_76, %select_n3A_91 : vector<2048x128xf32>
      %add3A_93 = arith.addf %mul3A_92, %add3A_75 : vector<2048x128xf32>
      %mul3A_94 = arith.mulf %mul3A_76, %select_n3A_85 : vector<2048x128xf32>
      %ge3A_95 = arith.constant 16 : i32
      %ge3A_96 = vector.broadcast %ge3A_95 : i32 to vector<2048x128xi32>
      %ge3A_97 = arith.cmpi sge, %iota3A, %ge3A_96 : vector<2048x128xi32>
      %slice3A_98 = vector.extract_strided_slice %mul3A_94 {offsets = [2032, 0], sizes = [16, 128], strides = [1, 1]} : vector<2048x128xf32> to vector<16x128xf32>
      %slice3A_99 = vector.extract_strided_slice %mul3A_94 {offsets = [0, 0], sizes = [2032, 128], strides = [1, 1]} : vector<2048x128xf32> to vector<2032x128xf32>
      %concatenate3A_100 = tpu.concatenate %slice3A_98, %slice3A_99 in 0 : vector<16x128xf32>, vector<2032x128xf32> -> vector<2048x128xf32>
      %jit3A_101 = arith.constant 1.000000e+00 : f32
      %broadcast_in_dim3A_102 = vector.broadcast %jit3A_101 : f32 to vector<2048x128xf32>
      %select_n3A_103 = arith.select %ge3A_97, %concatenate3A_100, %broadcast_in_dim3A_102 : vector<2048x128xi1>, vector<2048x128xf32>
      %slice3A_104 = vector.extract_strided_slice %add3A_93 {offsets = [2032, 0], sizes = [16, 128], strides = [1, 1]} : vector<2048x128xf32> to vector<16x128xf32>
      %slice3A_105 = vector.extract_strided_slice %add3A_93 {offsets = [0, 0], sizes = [2032, 128], strides = [1, 1]} : vector<2048x128xf32> to vector<2032x128xf32>
      %concatenate3A_106 = tpu.concatenate %slice3A_104, %slice3A_105 in 0 : vector<16x128xf32>, vector<2032x128xf32> -> vector<2048x128xf32>
      %jit3A_107 = arith.constant 0.000000e+00 : f32
      %broadcast_in_dim3A_108 = vector.broadcast %jit3A_107 : f32 to vector<2048x128xf32>
      %select_n3A_109 = arith.select %ge3A_97, %concatenate3A_106, %broadcast_in_dim3A_108 : vector<2048x128xi1>, vector<2048x128xf32>
      %mul3A_110 = arith.mulf %mul3A_94, %select_n3A_109 : vector<2048x128xf32>
      %add3A_111 = arith.addf %mul3A_110, %add3A_93 : vector<2048x128xf32>
      %mul3A_112 = arith.mulf %mul3A_94, %select_n3A_103 : vector<2048x128xf32>
      %ge3A_113 = arith.constant 32 : i32
      %ge3A_114 = vector.broadcast %ge3A_113 : i32 to vector<2048x128xi32>
      %ge3A_115 = arith.cmpi sge, %iota3A, %ge3A_114 : vector<2048x128xi32>
      %slice3A_116 = vector.extract_strided_slice %mul3A_112 {offsets = [2016, 0], sizes = [32, 128], strides = [1, 1]} : vector<2048x128xf32> to vector<32x128xf32>
      %slice3A_117 = vector.extract_strided_slice %mul3A_112 {offsets = [0, 0], sizes = [2016, 128], strides = [1, 1]} : vector<2048x128xf32> to vector<2016x128xf32>
      %concatenate3A_118 = tpu.concatenate %slice3A_116, %slice3A_117 in 0 : vector<32x128xf32>, vector<2016x128xf32> -> vector<2048x128xf32>
      %jit3A_119 = arith.constant 1.000000e+00 : f32
      %broadcast_in_dim3A_120 = vector.broadcast %jit3A_119 : f32 to vector<2048x128xf32>
      %select_n3A_121 = arith.select %ge3A_115, %concatenate3A_118, %broadcast_in_dim3A_120 : vector<2048x128xi1>, vector<2048x128xf32>
      %slice3A_122 = vector.extract_strided_slice %add3A_111 {offsets = [2016, 0], sizes = [32, 128], strides = [1, 1]} : vector<2048x128xf32> to vector<32x128xf32>
      %slice3A_123 = vector.extract_strided_slice %add3A_111 {offsets = [0, 0], sizes = [2016, 128], strides = [1, 1]} : vector<2048x128xf32> to vector<2016x128xf32>
      %concatenate3A_124 = tpu.concatenate %slice3A_122, %slice3A_123 in 0 : vector<32x128xf32>, vector<2016x128xf32> -> vector<2048x128xf32>
      %jit3A_125 = arith.constant 0.000000e+00 : f32
      %broadcast_in_dim3A_126 = vector.broadcast %jit3A_125 : f32 to vector<2048x128xf32>
      %select_n3A_127 = arith.select %ge3A_115, %concatenate3A_124, %broadcast_in_dim3A_126 : vector<2048x128xi1>, vector<2048x128xf32>
      %mul3A_128 = arith.mulf %mul3A_112, %select_n3A_127 : vector<2048x128xf32>
      %add3A_129 = arith.addf %mul3A_128, %add3A_111 : vector<2048x128xf32>
      %mul3A_130 = arith.mulf %mul3A_112, %select_n3A_121 : vector<2048x128xf32>
      %ge3A_131 = arith.constant 64 : i32
      %ge3A_132 = vector.broadcast %ge3A_131 : i32 to vector<2048x128xi32>
      %ge3A_133 = arith.cmpi sge, %iota3A, %ge3A_132 : vector<2048x128xi32>
      %slice3A_134 = vector.extract_strided_slice %mul3A_130 {offsets = [1984, 0], sizes = [64, 128], strides = [1, 1]} : vector<2048x128xf32> to vector<64x128xf32>
      %slice3A_135 = vector.extract_strided_slice %mul3A_130 {offsets = [0, 0], sizes = [1984, 128], strides = [1, 1]} : vector<2048x128xf32> to vector<1984x128xf32>
      %concatenate3A_136 = tpu.concatenate %slice3A_134, %slice3A_135 in 0 : vector<64x128xf32>, vector<1984x128xf32> -> vector<2048x128xf32>
      %jit3A_137 = arith.constant 1.000000e+00 : f32
      %broadcast_in_dim3A_138 = vector.broadcast %jit3A_137 : f32 to vector<2048x128xf32>
      %select_n3A_139 = arith.select %ge3A_133, %concatenate3A_136, %broadcast_in_dim3A_138 : vector<2048x128xi1>, vector<2048x128xf32>
      %slice3A_140 = vector.extract_strided_slice %add3A_129 {offsets = [1984, 0], sizes = [64, 128], strides = [1, 1]} : vector<2048x128xf32> to vector<64x128xf32>
      %slice3A_141 = vector.extract_strided_slice %add3A_129 {offsets = [0, 0], sizes = [1984, 128], strides = [1, 1]} : vector<2048x128xf32> to vector<1984x128xf32>
      %concatenate3A_142 = tpu.concatenate %slice3A_140, %slice3A_141 in 0 : vector<64x128xf32>, vector<1984x128xf32> -> vector<2048x128xf32>
      %jit3A_143 = arith.constant 0.000000e+00 : f32
      %broadcast_in_dim3A_144 = vector.broadcast %jit3A_143 : f32 to vector<2048x128xf32>
      %select_n3A_145 = arith.select %ge3A_133, %concatenate3A_142, %broadcast_in_dim3A_144 : vector<2048x128xi1>, vector<2048x128xf32>
      %mul3A_146 = arith.mulf %mul3A_130, %select_n3A_145 : vector<2048x128xf32>
      %add3A_147 = arith.addf %mul3A_146, %add3A_129 : vector<2048x128xf32>
      %mul3A_148 = arith.mulf %mul3A_130, %select_n3A_139 : vector<2048x128xf32>
      %ge3A_149 = arith.constant 128 : i32
      %ge3A_150 = vector.broadcast %ge3A_149 : i32 to vector<2048x128xi32>
      %ge3A_151 = arith.cmpi sge, %iota3A, %ge3A_150 : vector<2048x128xi32>
      %slice3A_152 = vector.extract_strided_slice %mul3A_148 {offsets = [1920, 0], sizes = [128, 128], strides = [1, 1]} : vector<2048x128xf32> to vector<128x128xf32>
      %slice3A_153 = vector.extract_strided_slice %mul3A_148 {offsets = [0, 0], sizes = [1920, 128], strides = [1, 1]} : vector<2048x128xf32> to vector<1920x128xf32>
      %concatenate3A_154 = tpu.concatenate %slice3A_152, %slice3A_153 in 0 : vector<128x128xf32>, vector<1920x128xf32> -> vector<2048x128xf32>
      %jit3A_155 = arith.constant 1.000000e+00 : f32
      %broadcast_in_dim3A_156 = vector.broadcast %jit3A_155 : f32 to vector<2048x128xf32>
      %select_n3A_157 = arith.select %ge3A_151, %concatenate3A_154, %broadcast_in_dim3A_156 : vector<2048x128xi1>, vector<2048x128xf32>
      %slice3A_158 = vector.extract_strided_slice %add3A_147 {offsets = [1920, 0], sizes = [128, 128], strides = [1, 1]} : vector<2048x128xf32> to vector<128x128xf32>
      %slice3A_159 = vector.extract_strided_slice %add3A_147 {offsets = [0, 0], sizes = [1920, 128], strides = [1, 1]} : vector<2048x128xf32> to vector<1920x128xf32>
      %concatenate3A_160 = tpu.concatenate %slice3A_158, %slice3A_159 in 0 : vector<128x128xf32>, vector<1920x128xf32> -> vector<2048x128xf32>
      %jit3A_161 = arith.constant 0.000000e+00 : f32
      %broadcast_in_dim3A_162 = vector.broadcast %jit3A_161 : f32 to vector<2048x128xf32>
      %select_n3A_163 = arith.select %ge3A_151, %concatenate3A_160, %broadcast_in_dim3A_162 : vector<2048x128xi1>, vector<2048x128xf32>
      %mul3A_164 = arith.mulf %mul3A_148, %select_n3A_163 : vector<2048x128xf32>
      %add3A_165 = arith.addf %mul3A_164, %add3A_147 : vector<2048x128xf32>
      %mul3A_166 = arith.mulf %mul3A_148, %select_n3A_157 : vector<2048x128xf32>
      %ge3A_167 = arith.constant 256 : i32
      %ge3A_168 = vector.broadcast %ge3A_167 : i32 to vector<2048x128xi32>
      %ge3A_169 = arith.cmpi sge, %iota3A, %ge3A_168 : vector<2048x128xi32>
      %slice3A_170 = vector.extract_strided_slice %mul3A_166 {offsets = [1792, 0], sizes = [256, 128], strides = [1, 1]} : vector<2048x128xf32> to vector<256x128xf32>
      %slice3A_171 = vector.extract_strided_slice %mul3A_166 {offsets = [0, 0], sizes = [1792, 128], strides = [1, 1]} : vector<2048x128xf32> to vector<1792x128xf32>
      %concatenate3A_172 = tpu.concatenate %slice3A_170, %slice3A_171 in 0 : vector<256x128xf32>, vector<1792x128xf32> -> vector<2048x128xf32>
      %jit3A_173 = arith.constant 1.000000e+00 : f32
      %broadcast_in_dim3A_174 = vector.broadcast %jit3A_173 : f32 to vector<2048x128xf32>
      %select_n3A_175 = arith.select %ge3A_169, %concatenate3A_172, %broadcast_in_dim3A_174 : vector<2048x128xi1>, vector<2048x128xf32>
      %slice3A_176 = vector.extract_strided_slice %add3A_165 {offsets = [1792, 0], sizes = [256, 128], strides = [1, 1]} : vector<2048x128xf32> to vector<256x128xf32>
      %slice3A_177 = vector.extract_strided_slice %add3A_165 {offsets = [0, 0], sizes = [1792, 128], strides = [1, 1]} : vector<2048x128xf32> to vector<1792x128xf32>
      %concatenate3A_178 = tpu.concatenate %slice3A_176, %slice3A_177 in 0 : vector<256x128xf32>, vector<1792x128xf32> -> vector<2048x128xf32>
      %jit3A_179 = arith.constant 0.000000e+00 : f32
      %broadcast_in_dim3A_180 = vector.broadcast %jit3A_179 : f32 to vector<2048x128xf32>
      %select_n3A_181 = arith.select %ge3A_169, %concatenate3A_178, %broadcast_in_dim3A_180 : vector<2048x128xi1>, vector<2048x128xf32>
      %mul3A_182 = arith.mulf %mul3A_166, %select_n3A_181 : vector<2048x128xf32>
      %add3A_183 = arith.addf %mul3A_182, %add3A_165 : vector<2048x128xf32>
      %mul3A_184 = arith.mulf %mul3A_166, %select_n3A_175 : vector<2048x128xf32>
      %ge3A_185 = arith.constant 512 : i32
      %ge3A_186 = vector.broadcast %ge3A_185 : i32 to vector<2048x128xi32>
      %ge3A_187 = arith.cmpi sge, %iota3A, %ge3A_186 : vector<2048x128xi32>
      %slice3A_188 = vector.extract_strided_slice %mul3A_184 {offsets = [1536, 0], sizes = [512, 128], strides = [1, 1]} : vector<2048x128xf32> to vector<512x128xf32>
      %slice3A_189 = vector.extract_strided_slice %mul3A_184 {offsets = [0, 0], sizes = [1536, 128], strides = [1, 1]} : vector<2048x128xf32> to vector<1536x128xf32>
      %concatenate3A_190 = tpu.concatenate %slice3A_188, %slice3A_189 in 0 : vector<512x128xf32>, vector<1536x128xf32> -> vector<2048x128xf32>
      %jit3A_191 = arith.constant 1.000000e+00 : f32
      %broadcast_in_dim3A_192 = vector.broadcast %jit3A_191 : f32 to vector<2048x128xf32>
      %select_n3A_193 = arith.select %ge3A_187, %concatenate3A_190, %broadcast_in_dim3A_192 : vector<2048x128xi1>, vector<2048x128xf32>
      %slice3A_194 = vector.extract_strided_slice %add3A_183 {offsets = [1536, 0], sizes = [512, 128], strides = [1, 1]} : vector<2048x128xf32> to vector<512x128xf32>
      %slice3A_195 = vector.extract_strided_slice %add3A_183 {offsets = [0, 0], sizes = [1536, 128], strides = [1, 1]} : vector<2048x128xf32> to vector<1536x128xf32>
      %concatenate3A_196 = tpu.concatenate %slice3A_194, %slice3A_195 in 0 : vector<512x128xf32>, vector<1536x128xf32> -> vector<2048x128xf32>
      %jit3A_197 = arith.constant 0.000000e+00 : f32
      %broadcast_in_dim3A_198 = vector.broadcast %jit3A_197 : f32 to vector<2048x128xf32>
      %select_n3A_199 = arith.select %ge3A_187, %concatenate3A_196, %broadcast_in_dim3A_198 : vector<2048x128xi1>, vector<2048x128xf32>
      %mul3A_200 = arith.mulf %mul3A_184, %select_n3A_199 : vector<2048x128xf32>
      %add3A_201 = arith.addf %mul3A_200, %add3A_183 : vector<2048x128xf32>
      %mul3A_202 = arith.mulf %mul3A_184, %select_n3A_193 : vector<2048x128xf32>
      %ge3A_203 = arith.constant 1024 : i32
      %ge3A_204 = vector.broadcast %ge3A_203 : i32 to vector<2048x128xi32>
      %ge3A_205 = arith.cmpi sge, %iota3A, %ge3A_204 : vector<2048x128xi32>
      %slice3A_206 = vector.extract_strided_slice %mul3A_202 {offsets = [1024, 0], sizes = [1024, 128], strides = [1, 1]} : vector<2048x128xf32> to vector<1024x128xf32>
      %slice3A_207 = vector.extract_strided_slice %mul3A_202 {offsets = [0, 0], sizes = [1024, 128], strides = [1, 1]} : vector<2048x128xf32> to vector<1024x128xf32>
      %concatenate3A_208 = tpu.concatenate %slice3A_206, %slice3A_207 in 0 : vector<1024x128xf32>, vector<1024x128xf32> -> vector<2048x128xf32>
      %jit3A_209 = arith.constant 1.000000e+00 : f32
      %broadcast_in_dim3A_210 = vector.broadcast %jit3A_209 : f32 to vector<2048x128xf32>
      %select_n3A_211 = arith.select %ge3A_205, %concatenate3A_208, %broadcast_in_dim3A_210 : vector<2048x128xi1>, vector<2048x128xf32>
      %slice3A_212 = vector.extract_strided_slice %add3A_201 {offsets = [1024, 0], sizes = [1024, 128], strides = [1, 1]} : vector<2048x128xf32> to vector<1024x128xf32>
      %slice3A_213 = vector.extract_strided_slice %add3A_201 {offsets = [0, 0], sizes = [1024, 128], strides = [1, 1]} : vector<2048x128xf32> to vector<1024x128xf32>
      %concatenate3A_214 = tpu.concatenate %slice3A_212, %slice3A_213 in 0 : vector<1024x128xf32>, vector<1024x128xf32> -> vector<2048x128xf32>
      %jit3A_215 = arith.constant 0.000000e+00 : f32
      %broadcast_in_dim3A_216 = vector.broadcast %jit3A_215 : f32 to vector<2048x128xf32>
      %select_n3A_217 = arith.select %ge3A_205, %concatenate3A_214, %broadcast_in_dim3A_216 : vector<2048x128xi1>, vector<2048x128xf32>
      %mul3A_218 = arith.mulf %mul3A_202, %select_n3A_217 : vector<2048x128xf32>
      %add3A_219 = arith.addf %mul3A_218, %add3A_201 : vector<2048x128xf32>
      %mul3A_220 = arith.mulf %mul3A_202, %select_n3A_211 : vector<2048x128xf32>
      %get3A_221 = arith.constant 0 : index
      %get3A_222 = arith.constant 0 : index
      %get3A_223 = vector.load %arg9[%get3A_221, %get3A_222] : memref<1x128xf32, #tpu.memory_space<vmem>>, vector<1x128xf32>
      %mul3A_224 = vector.broadcast %get3A_223 : vector<1x128xf32> to vector<2048x128xf32>
      %mul3A_225 = arith.mulf %mul3A_220, %mul3A_224 : vector<2048x128xf32>
      %add3A_226 = arith.addf %add3A_219, %mul3A_225 : vector<2048x128xf32>
      %eq3A_227 = arith.constant 2047 : i32
      %eq3A_228 = vector.broadcast %eq3A_227 : i32 to vector<2048x128xi32>
      %eq3A_229 = arith.cmpi eq, %iota3A, %eq3A_228 : vector<2048x128xi32>
      %convert_element_type3A_230 = arith.extui %eq3A_229 : vector<2048x128xi1> to vector<2048x128xi32>
      %convert_element_type3A_231 = arith.sitofp %convert_element_type3A_230 : vector<2048x128xi32> to vector<2048x128xf32>
      %mul3A_232 = arith.mulf %add3A_226, %convert_element_type3A_231 : vector<2048x128xf32>
      %reduce_sum3A = arith.constant dense<0.000000e+00> : vector<128xf32>
      %reduce_sum3A_233 = vector.multi_reduction <add>, %mul3A_232, %reduce_sum3A [0] : vector<2048x128xf32> to vector<128xf32>
      %broadcast_in_dim3A_234 = vector.shape_cast %reduce_sum3A_233 : vector<128xf32> to vector<1x128xf32>
      %swap3A = arith.constant 0 : index
      %swap3A_235 = arith.constant 0 : index
      %swap3A_236 = vector.load %arg9[%swap3A, %swap3A_235] : memref<1x128xf32, #tpu.memory_space<vmem>>, vector<1x128xf32>
      tpu.vector_store %arg9[%swap3A, %swap3A_235], %broadcast_in_dim3A_234 {strides = array<i32>} : memref<1x128xf32, #tpu.memory_space<vmem>>, vector<1x128xf32>,
      %mul3A_237 = arith.mulf %slice3A, %add3A_226 : vector<2048x128xf32>
      %rem3A = arith.constant 2 : i32
      %rem3A_238 = arith.remsi %arg0, %rem3A : i32
      %swap3A_239 = arith.index_cast %rem3A_238 : i32 to index
      %swap3A_240 = arith.constant 0 : index
      %swap3A_241 = arith.constant 0 : index
      %swap3A_242 = vector.load %arg10[%swap3A_239, %swap3A_240, %swap3A_241] : memref<2x2048x128xf32, #tpu.memory_space<vmem>>, vector<1x2048x128xf32>
      %swap3A_243 = vector.shape_cast %swap3A_242 : vector<1x2048x128xf32> to vector<2048x128xf32>
      %swap3A_244 = vector.shape_cast %mul3A_237 : vector<2048x128xf32> to vector<1x2048x128xf32>
      tpu.vector_store %arg10[%swap3A_239, %swap3A_240, %swap3A_241], %swap3A_244 {strides = array<i32>} : memref<2x2048x128xf32, #tpu.memory_space<vmem>>, vector<1x2048x128xf32>,
    } else {
    }
    %gt3A = arith.constant 0 : i32
    %gt3A_6 = arith.cmpi sgt, %arg0, %gt3A : i32
    %convert_element_type3A_7 = arith.extui %gt3A_6 : i1 to i32
    %cond3A_8 = arith.constant 0 : i32
    %cond3A_9 = arith.cmpi ne, %convert_element_type3A_7, %cond3A_8 : i32
    scf.if %cond3A_9 {
      %add3A = arith.constant 1 : i32
      %add3A_10 = arith.addi %arg0, %add3A : i32
      %rem3A = arith.constant 2 : i32
      %rem3A_11 = arith.remsi %add3A_10, %rem3A : i32
      %get3A = arith.index_cast %rem3A_11 : i32 to index
      %get3A_12 = arith.constant 0 : index
      %get3A_13 = arith.constant 0 : index
      %get3A_14 = vector.load %arg10[%get3A, %get3A_12, %get3A_13] : memref<2x2048x128xf32, #tpu.memory_space<vmem>>, vector<1x2048x128xf32>
      %get3A_15 = vector.shape_cast %get3A_14 : vector<1x2048x128xf32> to vector<2048x128xf32>
      %get3A_16 = arith.constant 0 : index
      %get3A_17 = arith.constant 0 : index
      %get3A_18 = vector.load %arg5[%get3A_16, %get3A_17] : memref<128x128xf32, #tpu.memory_space<vmem>>, vector<128x128xf32>
      %dot_general3A = arith.constant dense<0.000000e+00> : vector<2048x128xf32>
      %dot_general3A_19 = tpu.matmul %get3A_15, %get3A_18, %dot_general3A {dimension_numbers = #tpu.dot_dimension_numbers<[1], [0], [0], [1], [0, 0, 1, 1], [], []>, transpose_lhs_hint = false} : vector<2048x128xf32>, vector<128x128xf32>, vector<2048x128xf32> -> vector<2048x128xf32>
      %get3A_20 = arith.constant 0 : index
      %get3A_21 = arith.constant 0 : index
      %get3A_22 = vector.load %arg4[%get3A_20, %get3A_21] : memref<2048x128xf32, #tpu.memory_space<vmem>>, vector<2048x128xf32>
      %add3A_23 = arith.addf %dot_general3A_19, %get3A_22 : vector<2048x128xf32>
      %reduce_sum3A = arith.constant dense<0.000000e+00> : vector<2048xf32>
      %reduce_sum3A_24 = vector.multi_reduction <add>, %add3A_23, %reduce_sum3A [1] : vector<2048x128xf32> to vector<2048xf32>
      %broadcast_in_dim3A = vector.shape_cast %reduce_sum3A_24 : vector<2048xf32> to vector<2048x1xf32>
      %div3A = arith.constant 1.280000e+02 : f32
      %div3A_25 = vector.broadcast %div3A : f32 to vector<2048x1xf32>
      %div3A_26 = arith.divf %broadcast_in_dim3A, %div3A_25 : vector<2048x1xf32>
      %sub3A = vector.broadcast %div3A_26 : vector<2048x1xf32> to vector<2048x128xf32>
      %sub3A_27 = arith.subf %add3A_23, %sub3A : vector<2048x128xf32>
      %mul3A = arith.mulf %sub3A_27, %sub3A_27 : vector<2048x128xf32>
      %reduce_sum3A_28 = arith.constant dense<0.000000e+00> : vector<2048xf32>
      %reduce_sum3A_29 = vector.multi_reduction <add>, %mul3A, %reduce_sum3A_28 [1] : vector<2048x128xf32> to vector<2048xf32>
      %broadcast_in_dim3A_30 = vector.shape_cast %reduce_sum3A_29 : vector<2048xf32> to vector<2048x1xf32>
      %div3A_31 = arith.constant 1.280000e+02 : f32
      %div3A_32 = vector.broadcast %div3A_31 : f32 to vector<2048x1xf32>
      %div3A_33 = arith.divf %broadcast_in_dim3A_30, %div3A_32 : vector<2048x1xf32>
      %add3A_34 = arith.constant 9.99999974E-6 : f32
      %add3A_35 = vector.broadcast %add3A_34 : f32 to vector<2048x1xf32>
      %add3A_36 = arith.addf %div3A_33, %add3A_35 : vector<2048x1xf32>
      %sqrt3A = math.sqrt %add3A_36 : vector<2048x1xf32>
      %div3A_37 = vector.broadcast %sqrt3A : vector<2048x1xf32> to vector<2048x128xf32>
      %div3A_38 = arith.divf %sub3A_27, %div3A_37 : vector<2048x128xf32>
      %get3A_39 = arith.constant 0 : index
      %get3A_40 = arith.constant 0 : index
      %get3A_41 = vector.load %arg6[%get3A_39, %get3A_40] : memref<1x128xf32, #tpu.memory_space<vmem>>, vector<1x128xf32>
      %mul3A_42 = vector.broadcast %get3A_41 : vector<1x128xf32> to vector<2048x128xf32>
      %mul3A_43 = arith.mulf %div3A_38, %mul3A_42 : vector<2048x128xf32>
      %get3A_44 = arith.constant 0 : index
      %get3A_45 = arith.constant 0 : index
      %get3A_46 = vector.load %arg7[%get3A_44, %get3A_45] : memref<1x128xf32, #tpu.memory_space<vmem>>, vector<1x128xf32>
      %add3A_47 = vector.broadcast %get3A_46 : vector<1x128xf32> to vector<2048x128xf32>
      %add3A_48 = arith.addf %mul3A_43, %add3A_47 : vector<2048x128xf32>
      %swap3A = arith.constant 0 : index
      %swap3A_49 = arith.constant 0 : index
      %swap3A_50 = vector.load %arg8[%swap3A, %swap3A_49] : memref<2048x128xf32, #tpu.memory_space<vmem>>, vector<2048x128xf32>
      tpu.vector_store %arg8[%swap3A, %swap3A_49], %add3A_48 {strides = array<i32>} : memref<2048x128xf32, #tpu.memory_space<vmem>>, vector<2048x128xf32>,
    } else {
    }
    return
  }
  func.func @transform_0(%arg0: i32) -> (i32, i32) {
    %min3A = arith.constant 15 : i32
    %min3A_0 = arith.minsi %arg0, %min3A : i32
    %c0_i32 = arith.constant 0 : i32
    %c0_i32_1 = arith.constant 0 : i32
    return %min3A_0, %c0_i32 : i32, i32
  }
  func.func @transform_1(%arg0: i32) -> (i32, i32) {
    %min3A = arith.constant 15 : i32
    %min3A_0 = arith.minsi %arg0, %min3A : i32
    %c0_i32 = arith.constant 0 : i32
    %c0_i32_1 = arith.constant 0 : i32
    return %min3A_0, %c0_i32 : i32, i32
  }
  func.func @transform_2(%arg0: i32) -> (i32, i32) {
    %c0_i32 = arith.constant 0 : i32
    %c0_i32_0 = arith.constant 0 : i32
    %c0_i32_1 = arith.constant 0 : i32
    return %c0_i32, %c0_i32_0 : i32, i32
  }
  func.func @transform_3(%arg0: i32) -> (i32, i32) {
    %sub3A = arith.constant 1 : i32
    %sub3A_0 = arith.subi %arg0, %sub3A : i32
    %max3A = arith.constant 0 : i32
    %max3A_1 = arith.maxsi %sub3A_0, %max3A : i32
    %c0_i32 = arith.constant 0 : i32
    %c0_i32_2 = arith.constant 0 : i32
    return %max3A_1, %c0_i32 : i32, i32
  }
  func.func @transform_4(%arg0: i32) -> (i32, i32) {
    %c0_i32 = arith.constant 0 : i32
    %c0_i32_0 = arith.constant 0 : i32
    %c0_i32_1 = arith.constant 0 : i32
    return %c0_i32, %c0_i32_0 : i32, i32
  }
  func.func @transform_5(%arg0: i32) -> (i32, i32) {
    %c0_i32 = arith.constant 0 : i32
    %c0_i32_0 = arith.constant 0 : i32
    %c0_i32_1 = arith.constant 0 : i32
    return %c0_i32, %c0_i32_0 : i32, i32
  }
  func.func @transform_6(%arg0: i32) -> (i32, i32) {
    %c0_i32 = arith.constant 0 : i32
    %c0_i32_0 = arith.constant 0 : i32
    %c0_i32_1 = arith.constant 0 : i32
    return %c0_i32, %c0_i32_0 : i32, i32
  }
  func.func @transform_7(%arg0: i32) -> (i32, i32) {
    %sub3A = arith.constant 1 : i32
    %sub3A_0 = arith.subi %arg0, %sub3A : i32
    %max3A = arith.constant 0 : i32
    %max3A_1 = arith.maxsi %sub3A_0, %max3A : i32
    %c0_i32 = arith.constant 0 : i32
    %c0_i32_2 = arith.constant 0 : i32
    return %max3A_1, %c0_i32 : i32, i32
  }
}

</mosaic_0001>

<sc_bundles>
// kernel: kernel.5.cloned.1.call-start
scs
__scs_entry_jumppad:
0x0: {  	(pc) =	sbr.rel $0x88, $3  }
0x1: {  	(tag) =	ssettag $0x0;
	lr =	simm.s32 $0x1  }
0x2: {  	[smem:$0x3F98] =	sst lr;
	_ =	strace $0xD0000000  }
0x3: {  	_ = 	snop  }
0x4: {  	_ = 	snop  }
0x5: {  	_ = 	snop  }
0x6: {  	_ = 	snop  }
0x7: {  	_ = 	snop  }
__scs_overlays_trampoline_lowered:
0x8: {  	[smem:$0x3FA7] =	sst s0  }
0x9: {  	[smem:$0x3FA8] =	sst s1  }
0xa: {  	[smem:$0x3FA9] =	sst s2  }
0xb: {  	[smem:$0x3FAA] =	sst s3  }
0xc: {  	[smem:$0x3FAB] =	sst s4  }
0xd: {  	[smem:$0x3FAC] =	sst s5  }
0xe: {  	[smem:$0x3FAD] =	sst s6  }
0xf: {  	[smem:$0x3FAE] =	sst s7  }
0x10: {  	[smem:$0x3FAF] =	sst s8  }
0x11: {  	[smem:$0x3FB0] =	sst s9;
	s0 =	simm.s32 @!p0 $0x0  }
0x12: {  	s1 =	sld [smem:$0x3F96];
	s0 =	simm.s32 @p0 $0x1  }
0x13: {  	[smem:$0x3FB1] =	sst s0;
	s0 =	simm.s32 @!p1 $0x0  }
0x14: {  	s2 =	sld [smem:$0x3F95];
	s0 =	simm.s32 @p1 $0x1  }
0x15: {  	[smem:$0x3FB2] =	sst s0;
	s0 =	simm.s32 @!p2 $0x0  }
0x16: {  	s3 =	sld [smem:$0x3FDB];
	s0 =	simm.s32 @p2 $0x1  }
0x17: {  	s4 =	simm.s32 $0x1BF5;
	[smem:$0x3FB4] =	sst s0  }
0x18: {  	s0 =	sld [smem:$0x3F97];
	_ =	swait.ge [sflag:s4], $0x0  }
0x19: {  	s7 =	sld [smem:$0x3F98]  }
0x1a: {  	s8 =	sadd.s32 $0xFFFFE003, lr  }
0x1b: {  	s9 =	sadd.s32 $0xFFFFFEF7, lr;
	s5 =	simm.s32 $0xFFFFFFFF;
	p2 =	slt.u32 s8, $0xFFFFF086  }
0x1c: {  	p1 =	slt.u32 s9, $0xF7A;
	s5 =	simm.s32 @!p2 $0x0  }
0x1d: {  	s5 =	simm.s32 @p1 $0x1;
	p0 =	seq.s32 s7, s2  }
0x1e: {  	s7 =	smul.u32 @!p0 $0xF7A, s2;
	p2 =	seq.s32 @!p0 s5, $0x0  }
0x1f: {  	s9 =	smul.u32 $0xF7A, s1;
	s8 =	simm.s32 @!p0 $0x1BF5;
	p2 =	por !p2, p0  }
0x20: {  	[sflag:s8] =	ssyncset.s32 @!p0 $0xFFFFF086;
	s6 =	sadd.s32 @!p0 s3, s7;
	s7 =	simm.s32 @!p0 $0x108  }
0x21: {  	s3 =	sadd.s32 s3, s9;
	s6 =	sadd.s32 @!p0 $0x88, s6;
	s7 =	simm.s32 @p2 $0x1082  }
0x22: {  	[simem:s7], [sflag:s8] =	dma.local @!p0 [hbm:s6], $0xF7A  }
0x23: {  	s9 =	sor.u32 $0xD0000000, s2;
	s6 =	simm.s32 $0x108;
	_ =	swait.ge @!p0 [sflag:s8], $0x0  }
0x24: {  	s3 =	sadd.s32 $0x88, s3;
	s6 =	simm.s32 @!p1 $0x1082;
	[sflag:s4] =	ssyncset.s32 $0xFFFFF086  }
0x25: {  	[simem:s6], [sflag:s4] =	dma.local [hbm:s3], $0xF7A  }
0x26: {  	[smem:$0x3F98] =	sst s1;
	(tag) =	ssettag s2;
	_ =	strace s9  }
0x27: {  	s1 =	sld [smem:$0x3FA8]  }
0x28: {  	s2 =	sld [smem:$0x3FA9]  }
0x29: {  	s4 =	sld [smem:$0x3FAB]  }
0x2a: {  	p0 =	seq.s32 s5, $0x0;
	s5 =	sld [smem:$0x3FAC]  }
0x2b: {  	s6 =	sld [smem:$0x3FAD]  }
0x2c: {  	s7 =	sld [smem:$0x3FAE]  }
0x2d: {  	s3 =	simm.s32 $0x108;
	s8 =	sld [smem:$0x3FAF]  }
0x2e: {  	s3 =	simm.s32 @!p0 $0x1082;
	s9 =	sld [smem:$0x3FB0]  }
0x2f: {  	lr =	sadd.s32 s0, s3;
	s0 =	sld [smem:$0x3FA7]  }
0x30: {  	s3 =	sld [smem:$0x3FAA]  }
0x31: {  	[smem:$0x3FB3] =	sst s10  }
0x32: {  	s10 =	sld [smem:$0x3FB1];
	_ =	sdelay $0x3  }
0x33: {  	p0 =	seq.s32 s10, $0x1;
	s10 =	sld [smem:$0x3FB3];
	_ =	sdelay $0x3  }
0x34: {  	[smem:$0x3FB3] =	sst s10  }
0x35: {  	s10 =	sld [smem:$0x3FB2];
	_ =	sdelay $0x3  }
0x36: {  	p1 =	seq.s32 s10, $0x1;
	s10 =	sld [smem:$0x3FB3];
	_ =	sdelay $0x3  }
0x37: {  	[smem:$0x3FB3] =	sst s10  }
0x38: {  	s10 =	sld [smem:$0x3FB4]  }
0x39: {  	_ = 	snop;
	(pc) =	sbr.ind lr, $3  }
0x3a: {  	_ = 	snop  }
0x3b: {  	_ = 	snop  }
0x3c: {  	p2 =	seq.s32 s10, $0x1;
	s10 =	sld [smem:$0x3FB3]  }
0x3d: {  	_ =	shalt  }
0x3e: {  	_ =	shalt  }
0x3f: {  	_ =	shalt  }
0x40: {  	_ =	shalt  }
0x41: {  	_ =	shalt  }
0x42: {  	_ =	shalt  }
0x43: {  	_ =	shalt  }
0x44: {  	_ =	shalt  }
0x45: {  	_ =	shalt  }
0x46: {  	_ =	shalt  }
0x47: {  	_ =	shalt  }
0x48: {  	_ =	shalt  }
0x49: {  	_ =	shalt  }
0x4a: {  	_ =	shalt  }
0x4b: {  	_ =	shalt  }
0x4c: {  	_ =	shalt  }
0x4d: {  	_ =	shalt  }
0x4e: {  	_ =	shalt  }
0x4f: {  	_ =	shalt  }
0x50: {  	_ =	shalt  }
0x51: {  	_ =	shalt  }
0x52: {  	_ =	shalt  }
0x53: {  	_ =	shalt  }
0x54: {  	_ =	shalt  }
0x55: {  	_ =	shalt  }
0x56: {  	_ =	shalt  }
0x57: {  	_ =	shalt  }
0x58: {  	_ =	shalt  }
0x59: {  	_ =	shalt  }
0x5a: {  	_ =	shalt  }
0x5b: {  	_ =	shalt  }
0x5c: {  	_ =	shalt  }
0x5d: {  	_ =	shalt  }
0x5e: {  	_ =	shalt  }
0x5f: {  	_ =	shalt  }
0x60: {  	_ =	shalt  }
0x61: {  	_ =	shalt  }
0x62: {  	_ =	shalt  }
0x63: {  	_ =	shalt  }
0x64: {  	_ =	shalt  }
0x65: {  	_ =	shalt  }
0x66: {  	_ =	shalt  }
0x67: {  	_ =	shalt  }
0x68: {  	_ =	shalt  }
0x69: {  	_ =	shalt  }
0x6a: {  	_ =	shalt  }
0x6b: {  	_ =	shalt  }
0x6c: {  	_ =	shalt  }
0x6d: {  	_ =	shalt  }
0x6e: {  	_ =	shalt  }
0x6f: {  	_ =	shalt  }
0x70: {  	_ =	shalt  }
0x71: {  	_ =	shalt  }
0x72: {  	_ =	shalt  }
0x73: {  	_ =	shalt  }
0x74: {  	_ =	shalt  }
0x75: {  	_ =	shalt  }
0x76: {  	_ =	shalt  }
0x77: {  	_ =	shalt  }
0x78: {  	_ =	shalt  }
0x79: {  	_ =	shalt  }
0x7a: {  	_ =	shalt  }
0x7b: {  	_ =	shalt  }
0x7c: {  	_ =	shalt  }
0x7d: {  	_ =	shalt  }
0x7e: {  	_ =	shalt  }
0x7f: {  	_ =	shalt  }
0x80: {  	_ =	shalt  }
0x81: {  	_ =	shalt  }
0x82: {  	_ =	shalt  }
0x83: {  	_ =	shalt  }
0x84: {  	_ =	shalt  }
0x85: {  	_ =	shalt  }
0x86: {  	_ =	shalt  }
0x87: {  	_ =	shalt  }
.Lfunc_end0:
.L_simem_size_0:
called_computation_lowered:
.L_overlay_start_0:
0x88: {  	s2 =	sld [smem:$0x3FD9]  }
0x89: {  	s3 =	sld [smem:$0x3FFE];
	_ =	sdelay $0x1  }
0x8a: {  	s1 =	srdreg.scid  }
0x8b: {  	s0 =	sand.u32 $0x1, s1  }
0x8c: {  	s17 =	sshll.u32 s0, $0xA;
	s2 =	sadd.s32 s3, s2  }
0x8d: {  	s2 =	sadd.s32 s2, s17  }
0x8e: {  	[smem:$0x3FBF] =	sst s2  }
0x8f: {  	_ = 	snop  }
0x90: {  	s2 =	sld [smem:$0x3FC9];
	(tm) =	ssettm $0x1  }
0x91: {  	s18 =	sld [smem:$0x3FFB];
	_ =	sdelay $0x3  }
0x92: {  	_ =	strace s18  }
0x93: {  	s3 =	sld [smem:$0x3FFC];
	_ =	sdelay $0x3  }
0x94: {  	_ =	strace s3  }
0x95: {  	s3 =	sld [smem:$0x3FFD];
	_ =	sdelay $0x3  }
0x96: {  	_ =	strace s3  }
0x97: {  	_ =	strace $0x8FFFFFFF  }
0x98: {  	s19 =	sld [smem:$0x3FDB];
	_ =	sdelay $0x1  }
0x99: {  	s4 =	simm.s32 $_scs_section_size  }
0x9a: {  	s5 =	simm.s32 $_size__tile_overlayer_lowered;
	s6 =	simm.s32 $_tile_overlayer_lowered  }
0x9b: {  	s22 =	simm.s32 $0x1BFF;
	s21 =	sshll.u32 s6, $0x1;
	s3 =	sadd.s32 s4, s19  }
0x9c: {  	s7 =	simm.s32 $0x0;
	s20 =	sshll.u32 s5, $0x1;
	s5 =	sadd.s32 s21, s3  }
0x9d: {  	[timem:s7], [sflag:s22] =	dma.local [hbm:s5], s20  }
0x9e: {  	_ =	swait.ge [sflag:s22], s20  }
0x9f: {  	s4 =	ssub.s32 $0x0, s20;
	[sflag:s22] =	ssyncset.done $0x0  }
0xa0: {  	[sflag:s22] =	ssyncadd.s32 s4;
	_ =	sdelay $0x1  }
0xa1: {  	s23 =	simm.s32 $0x1B8B  }
0xa2: {  	_ =	swait.ge [sflag:s23], $0x1  }
0xa3: {  	[sflag:s23] =	ssyncset.done $0x0  }
0xa4: {  	s25 =	simm.s32 $0x1B8E;
	s24 =	sld [smem:$0x3FFE];
	[sflag:s23] =	ssyncadd.s32 $0xFFFFFFFF  }
0xa5: {  	s26 =	simm.s32 $execute0_lowered;
	[smem:$0x3FD2] =	sst s25  }
0xa6: {  	s5 =	sshll.u32 s26, $0x1;
	_ =	strace $0x80000046;
	[dreg:$0x1] =	wrdreg $0xFFFFFFFF  }
0xa7: {  	s28 =	simm.s32 $_size_execute0_lowered;
	s3 =	sadd.s32 s3, s5;
	[dreg:$0x0] =	wrdreg $0x0  }
0xa8: {  	s5 =	sshll.u32 s28, $0x1;
	[dreg:$0x2] =	wrdreg s3  }
0xa9: {  	[dreg:$0x3] =	wrdreg s5  }
0xaa: {  	[dreg:$0x4] =	wrdreg $0xC0  }
0xab: {  	_ =	task [dreg:s7], $0x5FFFF  }
0xac: {  	[dreg:$0x1] =	wrdreg $0xFFFFFFFF  }
0xad: {  	[dreg:$0x0] =	wrdreg $0x60  }
0xae: {  	[dreg:$0x2] =	wrdreg s2  }
0xaf: {  	[dreg:$0x3] =	wrdreg s24  }
0xb0: {  	[dreg:$0x4] =	wrdreg $0x9  }
0xb1: {  	_ =	task.clear_ibuf [dreg:s7], $0x5FFFF;
	_ =	strace $0x90000046  }
0xb2: {  	s29 =	simm.s32 $0x9;
	_ =	strace $0x80000048  }
0xb3: {  	_ =	swait.ge [sflag:s29], $0x1  }
0xb4: {  	[sflag:s29] =	ssyncadd.s32 $0xFFFFFFFF  }
0xb5: {  	_ =	strace $0x90000048  }
0xb6: {  	_ =	sfence  }
0xb7: {  	s30 =	sld [smem:$0x0];
	_ =	sdelay $0x2  }
0xb8: {  	s31 =	sshll.u32 s1, $0xD;
	s1 =	sshrl.u32 s1, $0x2  }
0xb9: {  	s3 =	sand.u32 $0x4000, s31;
	s1 =	sadd.s32 s1, s30  }
0xba: {  	s0 =	sor.u32 s3, s0;
	s1 =	sshll.u32 s1, $0x11  }
0xbb: {  	s0 =	sor.u32 s1, s0  }
0xbc: {  	s0 =	sadd.s32 $0x8F2B, s0  }
0xbd: {  	[sflag:s0] =	ssyncadd.remote.s32 $0x1  }
0xbe: {  	_ =	sfence.sel $0xFFFF  }
0xbf: {  	[dreg:$0x0] =	wrdreg $0xFFFFFFFF;
	(pc) =	sbr.abs _section_cstart, $3  }
0xc0: {  	[dreg:$0x1] =	wrdreg $0xFFFFFFFF  }
0xc1: {  	_ =	task.clear_ibuf [dreg:s7], $0x2FFFF;
	_ =	strace $0x9FFFFFFF  }
0xc2: {  	(tm) =	ssettm $0x7FFFFFFF  }
0xc3: {  	_ =	shalt  }
tec
execute0_lowered:
.L_overlay_start_1:
0x0: {  	(tag) =	ssettag $0x1  }
0x1: {  	s1 =	srdreg.scid  }
0x2: {  	s2 =	rddreg [dreg:$0x0];
	s0 =	stileid.u32;
	s26 =	sand.u32 $0x1, s1  }
0x3: {  	s10 =	rddreg [dreg:$0x1];
	s4 =	sshll.u32 s0, $0xB;
	s5 =	sshll.u32 s26, $0xA  }
0x4: {  	s3 =	simm.s32 $0x0;
	s1 =	rddreg [dreg:$0x2];
	s11 =	sor.u32 s5, s4  }
0x5: {  	[smem:$0x7FF] =	sst s3;
	s4 =	sshrl.u32 s11, $0x3  }
0x6: {  	_ =	strace $0x80000047;
	s5 =	simm.s32 $0x5;
	s4 =	sadd.s32 s10, s4  }
0x7: {  	[tilespmem:s3], [sflag:$0x5] =	stream.linear.gather [hbm4b:s4+s3], $0x400, $0x38;
	[tilespmem:$0x8400] =	vst v63  }
0x8: {  	_ =	swait.ge [sflag:s5], $0x400  }
0x9: {  	[sflag:s5] =	ssyncset.done $0x0  }
0xa: {  	s6 =	simm.s32 $0x80;
	s7 =	simm.s32 $0x400;
	[sflag:s5] =	ssyncadd.s32 $0xFFFFFC00  }
0xb: {  	[tilespmem:s7], [sflag:$0x1] =	stream.indirect.gather [hbm4b:s2+s6], $0x80, s3, s6, $0xb8;
	[tilespmem:$0x8400] =	vst v63  }
0xc: {  	s8 =	simm.s32 $0x4400;
	s9 =	simm.s32 $0x1  }
0xd: {  	[tilespmem:s8], [sflag:$0x2] =	stream.indirect.gather [hbm4b:s2+s6], $0x80, s6, s6, $0xb8;
	[tilespmem:$0x8400] =	vst v63  }
0xe: {  	s11 =	sshll.u32 s11, $0x4;
	_ =	swait.ge [sflag:s9], $0x4000  }
0xf: {  	s28 =	sadd.s32 s11, s10;
	[sflag:s9] =	ssyncset.done $0x0  }
0x10: {  	s11 =	simm.s32 $0x3;
	s10 =	sadd.s32 $0x1000, s28;
	[sflag:s9] =	ssyncadd.s32 $0xFFFFC000  }
0x11: {  	[hbm4b:s10+s3] =	stream.linear.scatter [tilespmem:s7], [sflag:$0x3], $0x4000, $0x38;
	[tilespmem:$0x8400] =	vst v63  }
0x12: {  	_ =	swait.ge [sflag:s11], $0x4000  }
0x13: {  	[sflag:s11] =	ssyncset.done $0x0  }
0x14: {  	s12 =	simm.s32 $0x100;
	s13 =	simm.s32 $0x2;
	[sflag:s11] =	ssyncadd.s32 $0xFFFFC000  }
0x15: {  	[tilespmem:s7], [sflag:$0x1] =	stream.indirect.gather [hbm4b:s2+s6], $0x80, s12, s6, $0xb8;
	[tilespmem:$0x8400] =	vst v63  }
0x16: {  	_ =	swait.ge [sflag:s13], $0x4000  }
0x17: {  	[sflag:s13] =	ssyncset.done $0x0  }
0x18: {  	s14 =	simm.s32 $0x4;
	s15 =	sadd.s32 $0x1800, s28;
	[sflag:s13] =	ssyncadd.s32 $0xFFFFC000  }
0x19: {  	[hbm4b:s15+s3] =	stream.linear.scatter [tilespmem:s8], [sflag:$0x4], $0x4000, $0x38;
	[tilespmem:$0x8400] =	vst v63  }
0x1a: {  	_ =	swait.ge [sflag:s14], $0x4000  }
0x1b: {  	[sflag:s14] =	ssyncset.done $0x0  }
0x1c: {  	s16 =	simm.s32 $0x180;
	[sflag:s14] =	ssyncadd.s32 $0xFFFFC000  }
0x1d: {  	[tilespmem:s8], [sflag:$0x2] =	stream.indirect.gather [hbm4b:s2+s6], $0x80, s16, s6, $0xb8;
	[tilespmem:$0x8400] =	vst v63  }
0x1e: {  	_ =	swait.ge [sflag:s9], $0x4000  }
0x1f: {  	[sflag:s9] =	ssyncset.done $0x0  }
0x20: {  	s17 =	sadd.s32 $0x2000, s28;
	[sflag:s9] =	ssyncadd.s32 $0xFFFFC000  }
0x21: {  	[hbm4b:s17+s3] =	stream.linear.scatter [tilespmem:s7], [sflag:$0x3], $0x4000, $0x38;
	[tilespmem:$0x8400] =	vst v63  }
0x22: {  	_ =	swait.ge [sflag:s11], $0x4000  }
0x23: {  	[sflag:s11] =	ssyncset.done $0x0  }
0x24: {  	s18 =	simm.s32 $0x200;
	[sflag:s11] =	ssyncadd.s32 $0xFFFFC000  }
0x25: {  	[tilespmem:s7], [sflag:$0x1] =	stream.indirect.gather [hbm4b:s2+s6], $0x80, s18, s6, $0xb8;
	[tilespmem:$0x8400] =	vst v63  }
0x26: {  	_ =	swait.ge [sflag:s13], $0x4000  }
0x27: {  	[sflag:s13] =	ssyncset.done $0x0  }
0x28: {  	s19 =	sadd.s32 $0x2800, s28;
	[sflag:s13] =	ssyncadd.s32 $0xFFFFC000  }
0x29: {  	[hbm4b:s19+s3] =	stream.linear.scatter [tilespmem:s8], [sflag:$0x4], $0x4000, $0x38;
	[tilespmem:$0x8400] =	vst v63  }
0x2a: {  	_ =	swait.ge [sflag:s14], $0x4000  }
0x2b: {  	[sflag:s14] =	ssyncset.done $0x0  }
0x2c: {  	s20 =	simm.s32 $0x280;
	[sflag:s14] =	ssyncadd.s32 $0xFFFFC000  }
0x2d: {  	[tilespmem:s8], [sflag:$0x2] =	stream.indirect.gather [hbm4b:s2+s6], $0x80, s20, s6, $0xb8;
	[tilespmem:$0x8400] =	vst v63  }
0x2e: {  	_ =	swait.ge [sflag:s9], $0x4000  }
0x2f: {  	[sflag:s9] =	ssyncset.done $0x0  }
0x30: {  	s21 =	sadd.s32 $0x3000, s28;
	[sflag:s9] =	ssyncadd.s32 $0xFFFFC000  }
0x31: {  	[hbm4b:s21+s3] =	stream.linear.scatter [tilespmem:s7], [sflag:$0x3], $0x4000, $0x38;
	[tilespmem:$0x8400] =	vst v63  }
0x32: {  	_ =	swait.ge [sflag:s11], $0x4000  }
0x33: {  	[sflag:s11] =	ssyncset.done $0x0  }
0x34: {  	s22 =	simm.s32 $0x300;
	[sflag:s11] =	ssyncadd.s32 $0xFFFFC000  }
0x35: {  	[tilespmem:s7], [sflag:$0x1] =	stream.indirect.gather [hbm4b:s2+s6], $0x80, s22, s6, $0xb8;
	[tilespmem:$0x8400] =	vst v63  }
0x36: {  	_ =	swait.ge [sflag:s13], $0x4000  }
0x37: {  	[sflag:s13] =	ssyncset.done $0x0  }
0x38: {  	s23 =	sadd.s32 $0x3800, s28;
	[sflag:s13] =	ssyncadd.s32 $0xFFFFC000  }
0x39: {  	[hbm4b:s23+s3] =	stream.linear.scatter [tilespmem:s8], [sflag:$0x4], $0x4000, $0x38;
	[tilespmem:$0x8400] =	vst v63  }
0x3a: {  	_ =	swait.ge [sflag:s14], $0x4000  }
0x3b: {  	[sflag:s14] =	ssyncset.done $0x0  }
0x3c: {  	s24 =	simm.s32 $0x380;
	[sflag:s14] =	ssyncadd.s32 $0xFFFFC000  }
0x3d: {  	[tilespmem:s8], [sflag:$0x2] =	stream.indirect.gather [hbm4b:s2+s6], $0x80, s24, s6, $0xb8;
	[tilespmem:$0x8400] =	vst v63  }
0x3e: {  	_ =	swait.ge [sflag:s9], $0x4000  }
0x3f: {  	s29 =	ssub.s32 $0x2, s26;
	s25 =	sadd.s32 $0x4000, s28;
	[sflag:s9] =	ssyncset.done $0x0  }
0x40: {  	s26 =	sadd.s32 $0x4800, s28;
	s28 =	sshrl.u32 s29, $0x1;
	[sflag:s9] =	ssyncadd.s32 $0xFFFFC000  }
0x41: {  	[hbm4b:s25+s3] =	stream.linear.scatter [tilespmem:s7], [sflag:$0x3], $0x4000, $0x38;
	[tilespmem:$0x8400] =	vst v63  }
0x42: {  	s28 =	ssub.s32 s29, s28;
	_ =	swait.ge [sflag:s13], $0x4000  }
0x43: {  	s28 =	smax.u32 s28, $0x1;
	[sflag:s13] =	ssyncset.done $0x0  }
0x44: {  	p0 =	sne.s32 s28, $0x1;
	[sflag:s13] =	ssyncadd.s32 $0xFFFFC000  }
0x45: {  	[hbm4b:s26+s3] =	stream.linear.scatter [tilespmem:s8], [sflag:$0x4], $0x4000, $0x38;
	[tilespmem:$0x8400] =	vst v63  }
.Ltmp0:
0x46: {  	_ =	swait.ge [sflag:s11], $0x4000;
	(pc) =	sbr.rel @!p0 .LBB2_2-.Ltmp0, $4  }
0x47: {  	[sflag:s11] =	ssyncset.done $0x0  }
0x48: {  	[sflag:s11] =	ssyncadd.s32 $0xFFFFC000  }
0x49: {  	_ =	swait.ge [sflag:s14], $0x4000  }
0x4a: {  	s28 =	sadd.s32 $0xFFFFFFFF, s28;
	[sflag:s14] =	ssyncset.done $0x0  }
.LBB2_1:
0x4b: {  	p0 =	sne.s32 s28, $0x1;
	s28 =	sadd.s32 $0xFFFFFFFF, s28;
	[sflag:s14] =	ssyncadd.s32 $0xFFFFC000  }
0x4c: {  	[tilespmem:s3], [sflag:$0x5] =	stream.linear.gather [hbm4b:s4+s3], $0x400, $0x38;
	[tilespmem:$0x8400] =	vst v63  }
0x4d: {  	_ =	swait.ge [sflag:s5], $0x400  }
0x4e: {  	[sflag:s5] =	ssyncset.done $0x0  }
0x4f: {  	[sflag:s5] =	ssyncadd.s32 $0xFFFFFC00  }
0x50: {  	[tilespmem:s7], [sflag:$0x1] =	stream.indirect.gather [hbm4b:s2+s6], $0x80, s3, s6, $0xb8;
	[tilespmem:$0x8400] =	vst v63  }
0x51: {  	_ = 	snop  }
0x52: {  	[tilespmem:s8], [sflag:$0x2] =	stream.indirect.gather [hbm4b:s2+s6], $0x80, s6, s6, $0xb8;
	[tilespmem:$0x8400] =	vst v63  }
0x53: {  	_ =	swait.ge [sflag:s9], $0x4000  }
0x54: {  	[sflag:s9] =	ssyncset.done $0x0  }
0x55: {  	[sflag:s9] =	ssyncadd.s32 $0xFFFFC000  }
0x56: {  	[hbm4b:s10+s3] =	stream.linear.scatter [tilespmem:s7], [sflag:$0x3], $0x4000, $0x38;
	[tilespmem:$0x8400] =	vst v63  }
0x57: {  	_ =	swait.ge [sflag:s11], $0x4000  }
0x58: {  	[sflag:s11] =	ssyncset.done $0x0  }
0x59: {  	[sflag:s11] =	ssyncadd.s32 $0xFFFFC000  }
0x5a: {  	[tilespmem:s7], [sflag:$0x1] =	stream.indirect.gather [hbm4b:s2+s6], $0x80, s12, s6, $0xb8;
	[tilespmem:$0x8400] =	vst v63  }
0x5b: {  	_ =	swait.ge [sflag:s13], $0x4000  }
0x5c: {  	[sflag:s13] =	ssyncset.done $0x0  }
0x5d: {  	[sflag:s13] =	ssyncadd.s32 $0xFFFFC000  }
0x5e: {  	[hbm4b:s15+s3] =	stream.linear.scatter [tilespmem:s8], [sflag:$0x4], $0x4000, $0x38;
	[tilespmem:$0x8400] =	vst v63  }
0x5f: {  	_ =	swait.ge [sflag:s14], $0x4000  }
0x60: {  	[sflag:s14] =	ssyncset.done $0x0  }
0x61: {  	[sflag:s14] =	ssyncadd.s32 $0xFFFFC000  }
0x62: {  	[tilespmem:s8], [sflag:$0x2] =	stream.indirect.gather [hbm4b:s2+s6], $0x80, s16, s6, $0xb8;
	[tilespmem:$0x8400] =	vst v63  }
0x63: {  	_ =	swait.ge [sflag:s9], $0x4000  }
0x64: {  	[sflag:s9] =	ssyncset.done $0x0  }
0x65: {  	[sflag:s9] =	ssyncadd.s32 $0xFFFFC000  }
0x66: {  	[hbm4b:s17+s3] =	stream.linear.scatter [tilespmem:s7], [sflag:$0x3], $0x4000, $0x38;
	[tilespmem:$0x8400] =	vst v63  }
0x67: {  	_ =	swait.ge [sflag:s11], $0x4000  }
0x68: {  	[sflag:s11] =	ssyncset.done $0x0  }
0x69: {  	[sflag:s11] =	ssyncadd.s32 $0xFFFFC000  }
0x6a: {  	[tilespmem:s7], [sflag:$0x1] =	stream.indirect.gather [hbm4b:s2+s6], $0x80, s18, s6, $0xb8;
	[tilespmem:$0x8400] =	vst v63  }
0x6b: {  	_ =	swait.ge [sflag:s13], $0x4000  }
0x6c: {  	[sflag:s13] =	ssyncset.done $0x0  }
0x6d: {  	[sflag:s13] =	ssyncadd.s32 $0xFFFFC000  }
0x6e: {  	[hbm4b:s19+s3] =	stream.linear.scatter [tilespmem:s8], [sflag:$0x4], $0x4000, $0x38;
	[tilespmem:$0x8400] =	vst v63  }
0x6f: {  	_ =	swait.ge [sflag:s14], $0x4000  }
0x70: {  	[sflag:s14] =	ssyncset.done $0x0  }
0x71: {  	[sflag:s14] =	ssyncadd.s32 $0xFFFFC000  }
0x72: {  	[tilespmem:s8], [sflag:$0x2] =	stream.indirect.gather [hbm4b:s2+s6], $0x80, s20, s6, $0xb8;
	[tilespmem:$0x8400] =	vst v63  }
0x73: {  	_ =	swait.ge [sflag:s9], $0x4000  }
0x74: {  	[sflag:s9] =	ssyncset.done $0x0  }
0x75: {  	[sflag:s9] =	ssyncadd.s32 $0xFFFFC000  }
0x76: {  	[hbm4b:s21+s3] =	stream.linear.scatter [tilespmem:s7], [sflag:$0x3], $0x4000, $0x38;
	[tilespmem:$0x8400] =	vst v63  }
0x77: {  	_ =	swait.ge [sflag:s11], $0x4000  }
0x78: {  	[sflag:s11] =	ssyncset.done $0x0  }
0x79: {  	[sflag:s11] =	ssyncadd.s32 $0xFFFFC000  }
0x7a: {  	[tilespmem:s7], [sflag:$0x1] =	stream.indirect.gather [hbm4b:s2+s6], $0x80, s22, s6, $0xb8;
	[tilespmem:$0x8400] =	vst v63  }
0x7b: {  	_ =	swait.ge [sflag:s13], $0x4000  }
0x7c: {  	[sflag:s13] =	ssyncset.done $0x0  }
0x7d: {  	[sflag:s13] =	ssyncadd.s32 $0xFFFFC000  }
0x7e: {  	[hbm4b:s23+s3] =	stream.linear.scatter [tilespmem:s8], [sflag:$0x4], $0x4000, $0x38;
	[tilespmem:$0x8400] =	vst v63  }
0x7f: {  	_ =	swait.ge [sflag:s14], $0x4000  }
0x80: {  	[sflag:s14] =	ssyncset.done $0x0  }
0x81: {  	[sflag:s14] =	ssyncadd.s32 $0xFFFFC000  }
0x82: {  	[tilespmem:s8], [sflag:$0x2] =	stream.indirect.gather [hbm4b:s2+s6], $0x80, s24, s6, $0xb8;
	[tilespmem:$0x8400] =	vst v63  }
0x83: {  	_ =	swait.ge [sflag:s9], $0x4000  }
0x84: {  	[sflag:s9] =	ssyncset.done $0x0  }
0x85: {  	[sflag:s9] =	ssyncadd.s32 $0xFFFFC000  }
0x86: {  	[hbm4b:s25+s3] =	stream.linear.scatter [tilespmem:s7], [sflag:$0x3], $0x4000, $0x38;
	[tilespmem:$0x8400] =	vst v63  }
0x87: {  	_ =	swait.ge [sflag:s13], $0x4000  }
0x88: {  	[sflag:s13] =	ssyncset.done $0x0  }
0x89: {  	[sflag:s13] =	ssyncadd.s32 $0xFFFFC000  }
0x8a: {  	[hbm4b:s26+s3] =	stream.linear.scatter [tilespmem:s8], [sflag:$0x4], $0x4000, $0x38;
	[tilespmem:$0x8400] =	vst v63  }
.Ltmp1:
0x8b: {  	_ =	swait.ge [sflag:s11], $0x4000;
	(pc) =	sbr.rel @p0 .LBB2_1-.Ltmp1, $4  }
0x8c: {  	[sflag:s11] =	ssyncset.done $0x0  }
0x8d: {  	[sflag:s11] =	ssyncadd.s32 $0xFFFFC000  }
0x8e: {  	_ =	swait.ge [sflag:s14], $0x4000  }
0x8f: {  	[sflag:s14] =	ssyncset.done $0x0  }
.LBB2_2:
0x90: {  	[sflag:s14] =	ssyncadd.s32 $0xFFFFC000  }
0x91: {  	_ =	sfence.sel $0x180000  }
0x92: {  	[bflag:$0x0] =	sbarrier.arrive $0xFFFF  }
0x93: {  	p0 =	sne.s32 s0, $0x0;
	_ =	strace $0x90000047  }
0x94: {  	s0 =	sadd.s32 @!p0 $0x100000, s1;
	[bflag:$0x2] =	sbarrier.arrive $0xFFFF  }
0x95: {  	[sflag:s0] =	ssyncadd.tile.s32 @!p0 $0x1;
	_ =	shalt  }
.Lfunc_end2:
_tile_overlayer_lowered:
.L_overlay_start_2:
0x96: {  	(tag) =	ssettag $0x2  }
0x97: {  	s0 =	rddreg [dreg:$0x0];
	s2 =	stileid.u32  }
0x98: {  	s1 =	rddreg [dreg:$0x1];
	p0 =	sne.s32 s2, $0x0  }
0x99: {  	s3 =	rddreg [dreg:$0x2];
	[bflag:$0x3] =	sbarrier.arrive $0xFFFF;
	s2 =	simm.s32 @!p0 $0x1C05  }
0x9a: {  	[timem:s3], [sflag:s2] =	dma.local @!p0 [hbm:s0], s1  }
0x9b: {  	s0 =	simm.s32 @!p0 $0x5  }
0x9c: {  	_ =	swait.ge @!p0 [sflag:s0], s1  }
0x9d: {  	s1 =	ssub.s32 @!p0 $0x0, s1;
	[sflag:s0] =	ssyncset.done @!p0 $0x0  }
0x9e: {  	[sflag:s0] =	ssyncadd.s32 @!p0 s1  }
0x9f: {  	[bflag:$0x3] =	sbarrier.arrive $0xFFFF  }
0xa0: {  	_ =	shalt  }

// kernel: kernel.8.cloned.1.call-start
scs
__scs_entry_jumppad:
0x0: {  	(pc) =	sbr.rel $0x88, $3  }
0x1: {  	(tag) =	ssettag $0x0;
	lr =	simm.s32 $0x1  }
0x2: {  	[smem:$0x3F98] =	sst lr;
	_ =	strace $0xD0000000  }
0x3: {  	_ = 	snop  }
0x4: {  	_ = 	snop  }
0x5: {  	_ = 	snop  }
0x6: {  	_ = 	snop  }
0x7: {  	_ = 	snop  }
__scs_overlays_trampoline_lowered:
0x8: {  	[smem:$0x3FA7] =	sst s0  }
0x9: {  	[smem:$0x3FA8] =	sst s1  }
0xa: {  	[smem:$0x3FA9] =	sst s2  }
0xb: {  	[smem:$0x3FAA] =	sst s3  }
0xc: {  	[smem:$0x3FAB] =	sst s4  }
0xd: {  	[smem:$0x3FAC] =	sst s5  }
0xe: {  	[smem:$0x3FAD] =	sst s6  }
0xf: {  	[smem:$0x3FAE] =	sst s7  }
0x10: {  	[smem:$0x3FAF] =	sst s8  }
0x11: {  	[smem:$0x3FB0] =	sst s9;
	s0 =	simm.s32 @!p0 $0x0  }
0x12: {  	s1 =	sld [smem:$0x3F96];
	s0 =	simm.s32 @p0 $0x1  }
0x13: {  	[smem:$0x3FB1] =	sst s0;
	s0 =	simm.s32 @!p1 $0x0  }
0x14: {  	s2 =	sld [smem:$0x3F95];
	s0 =	simm.s32 @p1 $0x1  }
0x15: {  	[smem:$0x3FB2] =	sst s0;
	s0 =	simm.s32 @!p2 $0x0  }
0x16: {  	s3 =	sld [smem:$0x3FDB];
	s0 =	simm.s32 @p2 $0x1  }
0x17: {  	s4 =	simm.s32 $0x1BF5;
	[smem:$0x3FB4] =	sst s0  }
0x18: {  	s0 =	sld [smem:$0x3F97];
	_ =	swait.ge [sflag:s4], $0x0  }
0x19: {  	s7 =	sld [smem:$0x3F98]  }
0x1a: {  	s8 =	sadd.s32 $0xFFFFE003, lr  }
0x1b: {  	s9 =	sadd.s32 $0xFFFFFEF7, lr;
	s5 =	simm.s32 $0xFFFFFFFF;
	p2 =	slt.u32 s8, $0xFFFFF086  }
0x1c: {  	p1 =	slt.u32 s9, $0xF7A;
	s5 =	simm.s32 @!p2 $0x0  }
0x1d: {  	s5 =	simm.s32 @p1 $0x1;
	p0 =	seq.s32 s7, s2  }
0x1e: {  	s7 =	smul.u32 @!p0 $0xF7A, s2;
	p2 =	seq.s32 @!p0 s5, $0x0  }
0x1f: {  	s9 =	smul.u32 $0xF7A, s1;
	s8 =	simm.s32 @!p0 $0x1BF5;
	p2 =	por !p2, p0  }
0x20: {  	[sflag:s8] =	ssyncset.s32 @!p0 $0xFFFFF086;
	s6 =	sadd.s32 @!p0 s3, s7;
	s7 =	simm.s32 @!p0 $0x108  }
0x21: {  	s3 =	sadd.s32 s3, s9;
	s6 =	sadd.s32 @!p0 $0x88, s6;
	s7 =	simm.s32 @p2 $0x1082  }
0x22: {  	[simem:s7], [sflag:s8] =	dma.local @!p0 [hbm:s6], $0xF7A  }
0x23: {  	s9 =	sor.u32 $0xD0000000, s2;
	s6 =	simm.s32 $0x108;
	_ =	swait.ge @!p0 [sflag:s8], $0x0  }
0x24: {  	s3 =	sadd.s32 $0x88, s3;
	s6 =	simm.s32 @!p1 $0x1082;
	[sflag:s4] =	ssyncset.s32 $0xFFFFF086  }
0x25: {  	[simem:s6], [sflag:s4] =	dma.local [hbm:s3], $0xF7A  }
0x26: {  	[smem:$0x3F98] =	sst s1;
	(tag) =	ssettag s2;
	_ =	strace s9  }
0x27: {  	s1 =	sld [smem:$0x3FA8]  }
0x28: {  	s2 =	sld [smem:$0x3FA9]  }
0x29: {  	s4 =	sld [smem:$0x3FAB]  }
0x2a: {  	p0 =	seq.s32 s5, $0x0;
	s5 =	sld [smem:$0x3FAC]  }
0x2b: {  	s6 =	sld [smem:$0x3FAD]  }
0x2c: {  	s7 =	sld [smem:$0x3FAE]  }
0x2d: {  	s3 =	simm.s32 $0x108;
	s8 =	sld [smem:$0x3FAF]  }
0x2e: {  	s3 =	simm.s32 @!p0 $0x1082;
	s9 =	sld [smem:$0x3FB0]  }
0x2f: {  	lr =	sadd.s32 s0, s3;
	s0 =	sld [smem:$0x3FA7]  }
0x30: {  	s3 =	sld [smem:$0x3FAA]  }
0x31: {  	[smem:$0x3FB3] =	sst s10  }
0x32: {  	s10 =	sld [smem:$0x3FB1];
	_ =	sdelay $0x3  }
0x33: {  	p0 =	seq.s32 s10, $0x1;
	s10 =	sld [smem:$0x3FB3];
	_ =	sdelay $0x3  }
0x34: {  	[smem:$0x3FB3] =	sst s10  }
0x35: {  	s10 =	sld [smem:$0x3FB2];
	_ =	sdelay $0x3  }
0x36: {  	p1 =	seq.s32 s10, $0x1;
	s10 =	sld [smem:$0x3FB3];
	_ =	sdelay $0x3  }
0x37: {  	[smem:$0x3FB3] =	sst s10  }
0x38: {  	s10 =	sld [smem:$0x3FB4]  }
0x39: {  	_ = 	snop;
	(pc) =	sbr.ind lr, $3  }
0x3a: {  	_ = 	snop  }
0x3b: {  	_ = 	snop  }
0x3c: {  	p2 =	seq.s32 s10, $0x1;
	s10 =	sld [smem:$0x3FB3]  }
0x3d: {  	_ =	shalt  }
0x3e: {  	_ =	shalt  }
0x3f: {  	_ =	shalt  }
0x40: {  	_ =	shalt  }
0x41: {  	_ =	shalt  }
0x42: {  	_ =	shalt  }
0x43: {  	_ =	shalt  }
0x44: {  	_ =	shalt  }
0x45: {  	_ =	shalt  }
0x46: {  	_ =	shalt  }
0x47: {  	_ =	shalt  }
0x48: {  	_ =	shalt  }
0x49: {  	_ =	shalt  }
0x4a: {  	_ =	shalt  }
0x4b: {  	_ =	shalt  }
0x4c: {  	_ =	shalt  }
0x4d: {  	_ =	shalt  }
0x4e: {  	_ =	shalt  }
0x4f: {  	_ =	shalt  }
0x50: {  	_ =	shalt  }
0x51: {  	_ =	shalt  }
0x52: {  	_ =	shalt  }
0x53: {  	_ =	shalt  }
0x54: {  	_ =	shalt  }
0x55: {  	_ =	shalt  }
0x56: {  	_ =	shalt  }
0x57: {  	_ =	shalt  }
0x58: {  	_ =	shalt  }
0x59: {  	_ =	shalt  }
0x5a: {  	_ =	shalt  }
0x5b: {  	_ =	shalt  }
0x5c: {  	_ =	shalt  }
0x5d: {  	_ =	shalt  }
0x5e: {  	_ =	shalt  }
0x5f: {  	_ =	shalt  }
0x60: {  	_ =	shalt  }
0x61: {  	_ =	shalt  }
0x62: {  	_ =	shalt  }
0x63: {  	_ =	shalt  }
0x64: {  	_ =	shalt  }
0x65: {  	_ =	shalt  }
0x66: {  	_ =	shalt  }
0x67: {  	_ =	shalt  }
0x68: {  	_ =	shalt  }
0x69: {  	_ =	shalt  }
0x6a: {  	_ =	shalt  }
0x6b: {  	_ =	shalt  }
0x6c: {  	_ =	shalt  }
0x6d: {  	_ =	shalt  }
0x6e: {  	_ =	shalt  }
0x6f: {  	_ =	shalt  }
0x70: {  	_ =	shalt  }
0x71: {  	_ =	shalt  }
0x72: {  	_ =	shalt  }
0x73: {  	_ =	shalt  }
0x74: {  	_ =	shalt  }
0x75: {  	_ =	shalt  }
0x76: {  	_ =	shalt  }
0x77: {  	_ =	shalt  }
0x78: {  	_ =	shalt  }
0x79: {  	_ =	shalt  }
0x7a: {  	_ =	shalt  }
0x7b: {  	_ =	shalt  }
0x7c: {  	_ =	shalt  }
0x7d: {  	_ =	shalt  }
0x7e: {  	_ =	shalt  }
0x7f: {  	_ =	shalt  }
0x80: {  	_ =	shalt  }
0x81: {  	_ =	shalt  }
0x82: {  	_ =	shalt  }
0x83: {  	_ =	shalt  }
0x84: {  	_ =	shalt  }
0x85: {  	_ =	shalt  }
0x86: {  	_ =	shalt  }
0x87: {  	_ =	shalt  }
.Lfunc_end0:
.L_simem_size_0:
called_computation.1_lowered:
.L_overlay_start_0:
0x88: {  	s2 =	sld [smem:$0x3FD9]  }
0x89: {  	s3 =	sld [smem:$0x3FFE];
	_ =	sdelay $0x1  }
0x8a: {  	s1 =	srdreg.scid  }
0x8b: {  	s0 =	sand.u32 $0x1, s1  }
0x8c: {  	s17 =	sshll.u32 s0, $0xA;
	s2 =	sadd.s32 s3, s2  }
0x8d: {  	s2 =	sadd.s32 s2, s17  }
0x8e: {  	[smem:$0x3FBF] =	sst s2  }
0x8f: {  	_ = 	snop  }
0x90: {  	s2 =	sld [smem:$0x3FD0];
	(tm) =	ssettm $0x1  }
0x91: {  	s18 =	sld [smem:$0x3FFB];
	_ =	sdelay $0x3  }
0x92: {  	_ =	strace s18  }
0x93: {  	s3 =	sld [smem:$0x3FFC];
	_ =	sdelay $0x3  }
0x94: {  	_ =	strace s3  }
0x95: {  	s3 =	sld [smem:$0x3FFD];
	_ =	sdelay $0x3  }
0x96: {  	_ =	strace s3  }
0x97: {  	_ =	strace $0x8FFFFFFF  }
0x98: {  	s19 =	sld [smem:$0x3FDB];
	_ =	sdelay $0x1  }
0x99: {  	s4 =	simm.s32 $_scs_section_size  }
0x9a: {  	s5 =	simm.s32 $_size__tile_overlayer_lowered;
	s6 =	simm.s32 $_tile_overlayer_lowered  }
0x9b: {  	s22 =	simm.s32 $0x1BFF;
	s21 =	sshll.u32 s6, $0x1;
	s3 =	sadd.s32 s4, s19  }
0x9c: {  	s7 =	simm.s32 $0x0;
	s20 =	sshll.u32 s5, $0x1;
	s5 =	sadd.s32 s21, s3  }
0x9d: {  	[timem:s7], [sflag:s22] =	dma.local [hbm:s5], s20  }
0x9e: {  	_ =	swait.ge [sflag:s22], s20  }
0x9f: {  	s4 =	ssub.s32 $0x0, s20;
	[sflag:s22] =	ssyncset.done $0x0  }
0xa0: {  	[sflag:s22] =	ssyncadd.s32 s4;
	_ =	sdelay $0x1  }
0xa1: {  	s23 =	simm.s32 $0x1B8B  }
0xa2: {  	_ =	swait.ge [sflag:s23], $0x1  }
0xa3: {  	[sflag:s23] =	ssyncset.done $0x0  }
0xa4: {  	s25 =	simm.s32 $0x1B8E;
	s24 =	sld [smem:$0x3FFE];
	[sflag:s23] =	ssyncadd.s32 $0xFFFFFFFF  }
0xa5: {  	s26 =	simm.s32 $execute0_lowered;
	[smem:$0x3FD2] =	sst s25  }
0xa6: {  	s5 =	sshll.u32 s26, $0x1;
	_ =	strace $0x80000049;
	[dreg:$0x1] =	wrdreg $0xFFFFFFFF  }
0xa7: {  	s28 =	simm.s32 $_size_execute0_lowered;
	s3 =	sadd.s32 s3, s5;
	[dreg:$0x0] =	wrdreg $0x0  }
0xa8: {  	s5 =	sshll.u32 s28, $0x1;
	[dreg:$0x2] =	wrdreg s3  }
0xa9: {  	[dreg:$0x3] =	wrdreg s5  }
0xaa: {  	[dreg:$0x4] =	wrdreg $0xC0  }
0xab: {  	_ =	task [dreg:s7], $0x5FFFF  }
0xac: {  	[dreg:$0x1] =	wrdreg $0xFFFFFFFF  }
0xad: {  	[dreg:$0x0] =	wrdreg $0x60  }
0xae: {  	[dreg:$0x2] =	wrdreg s24  }
0xaf: {  	[dreg:$0x3] =	wrdreg s2  }
0xb0: {  	[dreg:$0x4] =	wrdreg $0x9  }
0xb1: {  	_ =	task.clear_ibuf [dreg:s7], $0x5FFFF;
	_ =	strace $0x90000049  }
0xb2: {  	s29 =	simm.s32 $0x9;
	_ =	strace $0x8000004B  }
0xb3: {  	_ =	swait.ge [sflag:s29], $0x1  }
0xb4: {  	[sflag:s29] =	ssyncadd.s32 $0xFFFFFFFF  }
0xb5: {  	_ =	strace $0x9000004B  }
0xb6: {  	_ =	sfence  }
0xb7: {  	s30 =	sld [smem:$0x0];
	_ =	sdelay $0x2  }
0xb8: {  	s31 =	sshll.u32 s1, $0xD;
	s1 =	sshrl.u32 s1, $0x2  }
0xb9: {  	s3 =	sand.u32 $0x4000, s31;
	s1 =	sadd.s32 s1, s30  }
0xba: {  	s0 =	sor.u32 s3, s0;
	s1 =	sshll.u32 s1, $0x11  }
0xbb: {  	s0 =	sor.u32 s1, s0  }
0xbc: {  	s0 =	sadd.s32 $0x8F2B, s0  }
0xbd: {  	[sflag:s0] =	ssyncadd.remote.s32 $0x1  }
0xbe: {  	_ =	sfence.sel $0xFFFF  }
0xbf: {  	[dreg:$0x0] =	wrdreg $0xFFFFFFFF;
	(pc) =	sbr.abs _section_cstart, $3  }
0xc0: {  	[dreg:$0x1] =	wrdreg $0xFFFFFFFF  }
0xc1: {  	_ =	task.clear_ibuf [dreg:s7], $0x2FFFF;
	_ =	strace $0x9FFFFFFF  }
0xc2: {  	(tm) =	ssettm $0x7FFFFFFF  }
0xc3: {  	_ =	shalt  }
tec
execute0_lowered:
.L_overlay_start_1:
0x0: {  	(tag) =	ssettag $0x1  }
0x1: {  	s1 =	srdreg.scid  }
0x2: {  	s6 =	rddreg [dreg:$0x0];
	s0 =	stileid.u32;
	s26 =	sand.u32 $0x1, s1  }
0x3: {  	s2 =	rddreg [dreg:$0x1];
	s4 =	sshll.u32 s0, $0xB;
	s5 =	sshll.u32 s26, $0xA  }
0x4: {  	s3 =	simm.s32 $0x0;
	s1 =	rddreg [dreg:$0x2];
	s7 =	sor.u32 s5, s4  }
0x5: {  	[smem:$0x7FF] =	sst s3;
	s4 =	sshrl.u32 s7, $0x3  }
0x6: {  	_ =	strace $0x8000004A;
	s5 =	simm.s32 $0x5;
	s4 =	sadd.s32 s6, s4  }
0x7: {  	[tilespmem:s3], [sflag:$0x5] =	stream.linear.gather [hbm4b:s4+s3], $0x400, $0x38;
	[tilespmem:$0x8400] =	vst v63  }
0x8: {  	s7 =	sshll.u32 s7, $0x4;
	_ =	swait.ge [sflag:s5], $0x400  }
0x9: {  	s24 =	sadd.s32 s7, s6;
	[sflag:s5] =	ssyncset.done $0x0  }
0xa: {  	s7 =	simm.s32 $0x400;
	s6 =	sadd.s32 $0x1000, s24;
	[sflag:s5] =	ssyncadd.s32 $0xFFFFFC00  }
0xb: {  	[tilespmem:s7], [sflag:$0x1] =	stream.linear.gather [hbm4b:s6+s3], $0x4000, $0x38;
	[tilespmem:$0x8400] =	vst v63  }
0xc: {  	s9 =	simm.s32 $0x4400;
	s10 =	simm.s32 $0x1;
	s8 =	sadd.s32 $0x1800, s24  }
0xd: {  	[tilespmem:s9], [sflag:$0x2] =	stream.linear.gather [hbm4b:s8+s3], $0x4000, $0x38;
	[tilespmem:$0x8400] =	vst v63  }
0xe: {  	_ =	swait.ge [sflag:s10], $0x4000  }
0xf: {  	[sflag:s10] =	ssyncset.done $0x0  }
0x10: {  	s11 =	simm.s32 $0x80;
	s12 =	simm.s32 $0x3;
	[sflag:s10] =	ssyncadd.s32 $0xFFFFC000  }
0x11: {  	[hbm4b:s2+s11] =	stream.indirect.scatter [tilespmem:s7], [sflag:$0x3], $0x80, s3, s11, $0xb8;
	[tilespmem:$0x8400] =	vst v63  }
0x12: {  	_ =	swait.ge [sflag:s12], $0x4000  }
0x13: {  	[sflag:s12] =	ssyncset.done $0x0  }
0x14: {  	s14 =	simm.s32 $0x2;
	s13 =	sadd.s32 $0x2000, s24;
	[sflag:s12] =	ssyncadd.s32 $0xFFFFC000  }
0x15: {  	[tilespmem:s7], [sflag:$0x1] =	stream.linear.gather [hbm4b:s13+s3], $0x4000, $0x38;
	[tilespmem:$0x8400] =	vst v63  }
0x16: {  	_ =	swait.ge [sflag:s14], $0x4000  }
0x17: {  	[sflag:s14] =	ssyncset.done $0x0  }
0x18: {  	s15 =	simm.s32 $0x4;
	[sflag:s14] =	ssyncadd.s32 $0xFFFFC000  }
0x19: {  	[hbm4b:s2+s11] =	stream.indirect.scatter [tilespmem:s9], [sflag:$0x4], $0x80, s11, s11, $0xb8;
	[tilespmem:$0x8400] =	vst v63  }
0x1a: {  	_ =	swait.ge [sflag:s15], $0x4000  }
0x1b: {  	[sflag:s15] =	ssyncset.done $0x0  }
0x1c: {  	s16 =	sadd.s32 $0x2800, s24;
	[sflag:s15] =	ssyncadd.s32 $0xFFFFC000  }
0x1d: {  	[tilespmem:s9], [sflag:$0x2] =	stream.linear.gather [hbm4b:s16+s3], $0x4000, $0x38;
	[tilespmem:$0x8400] =	vst v63  }
0x1e: {  	_ =	swait.ge [sflag:s10], $0x4000  }
0x1f: {  	[sflag:s10] =	ssyncset.done $0x0  }
0x20: {  	s17 =	simm.s32 $0x100;
	[sflag:s10] =	ssyncadd.s32 $0xFFFFC000  }
0x21: {  	[hbm4b:s2+s11] =	stream.indirect.scatter [tilespmem:s7], [sflag:$0x3], $0x80, s17, s11, $0xb8;
	[tilespmem:$0x8400] =	vst v63  }
0x22: {  	_ =	swait.ge [sflag:s12], $0x4000  }
0x23: {  	[sflag:s12] =	ssyncset.done $0x0  }
0x24: {  	s18 =	sadd.s32 $0x3000, s24;
	[sflag:s12] =	ssyncadd.s32 $0xFFFFC000  }
0x25: {  	[tilespmem:s7], [sflag:$0x1] =	stream.linear.gather [hbm4b:s18+s3], $0x4000, $0x38;
	[tilespmem:$0x8400] =	vst v63  }
0x26: {  	_ =	swait.ge [sflag:s14], $0x4000  }
0x27: {  	[sflag:s14] =	ssyncset.done $0x0  }
0x28: {  	s19 =	simm.s32 $0x180;
	[sflag:s14] =	ssyncadd.s32 $0xFFFFC000  }
0x29: {  	[hbm4b:s2+s11] =	stream.indirect.scatter [tilespmem:s9], [sflag:$0x4], $0x80, s19, s11, $0xb8;
	[tilespmem:$0x8400] =	vst v63  }
0x2a: {  	_ =	swait.ge [sflag:s15], $0x4000  }
0x2b: {  	[sflag:s15] =	ssyncset.done $0x0  }
0x2c: {  	s20 =	sadd.s32 $0x3800, s24;
	[sflag:s15] =	ssyncadd.s32 $0xFFFFC000  }
0x2d: {  	[tilespmem:s9], [sflag:$0x2] =	stream.linear.gather [hbm4b:s20+s3], $0x4000, $0x38;
	[tilespmem:$0x8400] =	vst v63  }
0x2e: {  	_ =	swait.ge [sflag:s10], $0x4000  }
0x2f: {  	[sflag:s10] =	ssyncset.done $0x0  }
0x30: {  	s21 =	simm.s32 $0x200;
	[sflag:s10] =	ssyncadd.s32 $0xFFFFC000  }
0x31: {  	[hbm4b:s2+s11] =	stream.indirect.scatter [tilespmem:s7], [sflag:$0x3], $0x80, s21, s11, $0xb8;
	[tilespmem:$0x8400] =	vst v63  }
0x32: {  	_ =	swait.ge [sflag:s12], $0x4000  }
0x33: {  	[sflag:s12] =	ssyncset.done $0x0  }
0x34: {  	s22 =	sadd.s32 $0x4000, s24;
	[sflag:s12] =	ssyncadd.s32 $0xFFFFC000  }
0x35: {  	[tilespmem:s7], [sflag:$0x1] =	stream.linear.gather [hbm4b:s22+s3], $0x4000, $0x38;
	[tilespmem:$0x8400] =	vst v63  }
0x36: {  	_ =	swait.ge [sflag:s14], $0x4000  }
0x37: {  	[sflag:s14] =	ssyncset.done $0x0  }
0x38: {  	s23 =	simm.s32 $0x280;
	[sflag:s14] =	ssyncadd.s32 $0xFFFFC000  }
0x39: {  	[hbm4b:s2+s11] =	stream.indirect.scatter [tilespmem:s9], [sflag:$0x4], $0x80, s23, s11, $0xb8;
	[tilespmem:$0x8400] =	vst v63  }
0x3a: {  	_ =	swait.ge [sflag:s15], $0x4000  }
0x3b: {  	[sflag:s15] =	ssyncset.done $0x0  }
0x3c: {  	s24 =	sadd.s32 $0x4800, s24;
	[sflag:s15] =	ssyncadd.s32 $0xFFFFC000  }
0x3d: {  	[tilespmem:s9], [sflag:$0x2] =	stream.linear.gather [hbm4b:s24+s3], $0x4000, $0x38;
	[tilespmem:$0x8400] =	vst v63  }
0x3e: {  	_ =	swait.ge [sflag:s10], $0x4000  }
0x3f: {  	s28 =	ssub.s32 $0x2, s26;
	[sflag:s10] =	ssyncset.done $0x0  }
0x40: {  	s25 =	simm.s32 $0x300;
	s29 =	sshrl.u32 s28, $0x1;
	[sflag:s10] =	ssyncadd.s32 $0xFFFFC000  }
0x41: {  	[hbm4b:s2+s11] =	stream.indirect.scatter [tilespmem:s7], [sflag:$0x3], $0x80, s25, s11, $0xb8;
	[tilespmem:$0x8400] =	vst v63  }
0x42: {  	s28 =	ssub.s32 s28, s29;
	_ =	swait.ge [sflag:s14], $0x4000  }
0x43: {  	s28 =	smax.u32 s28, $0x1;
	[sflag:s14] =	ssyncset.done $0x0  }
0x44: {  	s26 =	simm.s32 $0x380;
	p0 =	sne.s32 s28, $0x1;
	[sflag:s14] =	ssyncadd.s32 $0xFFFFC000  }
0x45: {  	[hbm4b:s2+s11] =	stream.indirect.scatter [tilespmem:s9], [sflag:$0x4], $0x80, s26, s11, $0xb8;
	[tilespmem:$0x8400] =	vst v63  }
.Ltmp0:
0x46: {  	_ =	swait.ge [sflag:s12], $0x4000;
	(pc) =	sbr.rel @!p0 .LBB2_2-.Ltmp0, $4  }
0x47: {  	[sflag:s12] =	ssyncset.done $0x0  }
0x48: {  	[sflag:s12] =	ssyncadd.s32 $0xFFFFC000  }
0x49: {  	_ =	swait.ge [sflag:s15], $0x4000  }
0x4a: {  	s28 =	sadd.s32 $0xFFFFFFFF, s28;
	[sflag:s15] =	ssyncset.done $0x0  }
.LBB2_1:
0x4b: {  	p0 =	sne.s32 s28, $0x1;
	s28 =	sadd.s32 $0xFFFFFFFF, s28;
	[sflag:s15] =	ssyncadd.s32 $0xFFFFC000  }
0x4c: {  	[tilespmem:s3], [sflag:$0x5] =	stream.linear.gather [hbm4b:s4+s3], $0x400, $0x38;
	[tilespmem:$0x8400] =	vst v63  }
0x4d: {  	_ =	swait.ge [sflag:s5], $0x400  }
0x4e: {  	[sflag:s5] =	ssyncset.done $0x0  }
0x4f: {  	[sflag:s5] =	ssyncadd.s32 $0xFFFFFC00  }
0x50: {  	[tilespmem:s7], [sflag:$0x1] =	stream.linear.gather [hbm4b:s6+s3], $0x4000, $0x38;
	[tilespmem:$0x8400] =	vst v63  }
0x51: {  	_ = 	snop  }
0x52: {  	[tilespmem:s9], [sflag:$0x2] =	stream.linear.gather [hbm4b:s8+s3], $0x4000, $0x38;
	[tilespmem:$0x8400] =	vst v63  }
0x53: {  	_ =	swait.ge [sflag:s10], $0x4000  }
0x54: {  	[sflag:s10] =	ssyncset.done $0x0  }
0x55: {  	[sflag:s10] =	ssyncadd.s32 $0xFFFFC000  }
0x56: {  	[hbm4b:s2+s11] =	stream.indirect.scatter [tilespmem:s7], [sflag:$0x3], $0x80, s3, s11, $0xb8;
	[tilespmem:$0x8400] =	vst v63  }
0x57: {  	_ =	swait.ge [sflag:s12], $0x4000  }
0x58: {  	[sflag:s12] =	ssyncset.done $0x0  }
0x59: {  	[sflag:s12] =	ssyncadd.s32 $0xFFFFC000  }
0x5a: {  	[tilespmem:s7], [sflag:$0x1] =	stream.linear.gather [hbm4b:s13+s3], $0x4000, $0x38;
	[tilespmem:$0x8400] =	vst v63  }
0x5b: {  	_ =	swait.ge [sflag:s14], $0x4000  }
0x5c: {  	[sflag:s14] =	ssyncset.done $0x0  }
0x5d: {  	[sflag:s14] =	ssyncadd.s32 $0xFFFFC000  }
0x5e: {  	[hbm4b:s2+s11] =	stream.indirect.scatter [tilespmem:s9], [sflag:$0x4], $0x80, s11, s11, $0xb8;
	[tilespmem:$0x8400] =	vst v63  }
0x5f: {  	_ =	swait.ge [sflag:s15], $0x4000  }
0x60: {  	[sflag:s15] =	ssyncset.done $0x0  }
0x61: {  	[sflag:s15] =	ssyncadd.s32 $0xFFFFC000  }
0x62: {  	[tilespmem:s9], [sflag:$0x2] =	stream.linear.gather [hbm4b:s16+s3], $0x4000, $0x38;
	[tilespmem:$0x8400] =	vst v63  }
0x63: {  	_ =	swait.ge [sflag:s10], $0x4000  }
0x64: {  	[sflag:s10] =	ssyncset.done $0x0  }
0x65: {  	[sflag:s10] =	ssyncadd.s32 $0xFFFFC000  }
0x66: {  	[hbm4b:s2+s11] =	stream.indirect.scatter [tilespmem:s7], [sflag:$0x3], $0x80, s17, s11, $0xb8;
	[tilespmem:$0x8400] =	vst v63  }
0x67: {  	_ =	swait.ge [sflag:s12], $0x4000  }
0x68: {  	[sflag:s12] =	ssyncset.done $0x0  }
0x69: {  	[sflag:s12] =	ssyncadd.s32 $0xFFFFC000  }
0x6a: {  	[tilespmem:s7], [sflag:$0x1] =	stream.linear.gather [hbm4b:s18+s3], $0x4000, $0x38;
	[tilespmem:$0x8400] =	vst v63  }
0x6b: {  	_ =	swait.ge [sflag:s14], $0x4000  }
0x6c: {  	[sflag:s14] =	ssyncset.done $0x0  }
0x6d: {  	[sflag:s14] =	ssyncadd.s32 $0xFFFFC000  }
0x6e: {  	[hbm4b:s2+s11] =	stream.indirect.scatter [tilespmem:s9], [sflag:$0x4], $0x80, s19, s11, $0xb8;
	[tilespmem:$0x8400] =	vst v63  }
0x6f: {  	_ =	swait.ge [sflag:s15], $0x4000  }
0x70: {  	[sflag:s15] =	ssyncset.done $0x0  }
0x71: {  	[sflag:s15] =	ssyncadd.s32 $0xFFFFC000  }
0x72: {  	[tilespmem:s9], [sflag:$0x2] =	stream.linear.gather [hbm4b:s20+s3], $0x4000, $0x38;
	[tilespmem:$0x8400] =	vst v63  }
0x73: {  	_ =	swait.ge [sflag:s10], $0x4000  }
0x74: {  	[sflag:s10] =	ssyncset.done $0x0  }
0x75: {  	[sflag:s10] =	ssyncadd.s32 $0xFFFFC000  }
0x76: {  	[hbm4b:s2+s11] =	stream.indirect.scatter [tilespmem:s7], [sflag:$0x3], $0x80, s21, s11, $0xb8;
	[tilespmem:$0x8400] =	vst v63  }
0x77: {  	_ =	swait.ge [sflag:s12], $0x4000  }
0x78: {  	[sflag:s12] =	ssyncset.done $0x0  }
0x79: {  	[sflag:s12] =	ssyncadd.s32 $0xFFFFC000  }
0x7a: {  	[tilespmem:s7], [sflag:$0x1] =	stream.linear.gather [hbm4b:s22+s3], $0x4000, $0x38;
	[tilespmem:$0x8400] =	vst v63  }
0x7b: {  	_ =	swait.ge [sflag:s14], $0x4000  }
0x7c: {  	[sflag:s14] =	ssyncset.done $0x0  }
0x7d: {  	[sflag:s14] =	ssyncadd.s32 $0xFFFFC000  }
0x7e: {  	[hbm4b:s2+s11] =	stream.indirect.scatter [tilespmem:s9], [sflag:$0x4], $0x80, s23, s11, $0xb8;
	[tilespmem:$0x8400] =	vst v63  }
0x7f: {  	_ =	swait.ge [sflag:s15], $0x4000  }
0x80: {  	[sflag:s15] =	ssyncset.done $0x0  }
0x81: {  	[sflag:s15] =	ssyncadd.s32 $0xFFFFC000  }
0x82: {  	[tilespmem:s9], [sflag:$0x2] =	stream.linear.gather [hbm4b:s24+s3], $0x4000, $0x38;
	[tilespmem:$0x8400] =	vst v63  }
0x83: {  	_ =	swait.ge [sflag:s10], $0x4000  }
0x84: {  	[sflag:s10] =	ssyncset.done $0x0  }
0x85: {  	[sflag:s10] =	ssyncadd.s32 $0xFFFFC000  }
0x86: {  	[hbm4b:s2+s11] =	stream.indirect.scatter [tilespmem:s7], [sflag:$0x3], $0x80, s25, s11, $0xb8;
	[tilespmem:$0x8400] =	vst v63  }
0x87: {  	_ =	swait.ge [sflag:s14], $0x4000  }
0x88: {  	[sflag:s14] =	ssyncset.done $0x0  }
0x89: {  	[sflag:s14] =	ssyncadd.s32 $0xFFFFC000  }
0x8a: {  	[hbm4b:s2+s11] =	stream.indirect.scatter [tilespmem:s9], [sflag:$0x4], $0x80, s26, s11, $0xb8;
	[tilespmem:$0x8400] =	vst v63  }
.Ltmp1:
0x8b: {  	_ =	swait.ge [sflag:s12], $0x4000;
	(pc) =	sbr.rel @p0 .LBB2_1-.Ltmp1, $4  }
0x8c: {  	[sflag:s12] =	ssyncset.done $0x0  }
0x8d: {  	[sflag:s12] =	ssyncadd.s32 $0xFFFFC000  }
0x8e: {  	_ =	swait.ge [sflag:s15], $0x4000  }
0x8f: {  	[sflag:s15] =	ssyncset.done $0x0  }
.LBB2_2:
0x90: {  	[sflag:s15] =	ssyncadd.s32 $0xFFFFC000  }
0x91: {  	_ =	sfence.sel $0x180000  }
0x92: {  	[bflag:$0x0] =	sbarrier.arrive $0xFFFF  }
0x93: {  	p0 =	sne.s32 s0, $0x0;
	_ =	strace $0x9000004A  }
0x94: {  	s0 =	sadd.s32 @!p0 $0x100000, s1;
	[bflag:$0x2] =	sbarrier.arrive $0xFFFF  }
0x95: {  	[sflag:s0] =	ssyncadd.tile.s32 @!p0 $0x1;
	_ =	shalt  }
.Lfunc_end2:
_tile_overlayer_lowered:
.L_overlay_start_2:
0x96: {  	(tag) =	ssettag $0x2  }
0x97: {  	s0 =	rddreg [dreg:$0x0];
	s2 =	stileid.u32  }
0x98: {  	s1 =	rddreg [dreg:$0x1];
	p0 =	sne.s32 s2, $0x0  }
0x99: {  	s3 =	rddreg [dreg:$0x2];
	[bflag:$0x3] =	sbarrier.arrive $0xFFFF;
	s2 =	simm.s32 @!p0 $0x1C05  }
0x9a: {  	[timem:s3], [sflag:s2] =	dma.local @!p0 [hbm:s0], s1  }
0x9b: {  	s0 =	simm.s32 @!p0 $0x5  }
0x9c: {  	_ =	swait.ge @!p0 [sflag:s0], s1  }
0x9d: {  	s1 =	ssub.s32 @!p0 $0x0, s1;
	[sflag:s0] =	ssyncset.done @!p0 $0x0  }
0x9e: {  	[sflag:s0] =	ssyncadd.s32 @!p0 s1  }
0x9f: {  	[bflag:$0x3] =	sbarrier.arrive $0xFFFF  }
0xa0: {  	_ =	shalt  }

</sc_bundles>
